<compile_context>
chip_gen: v7x
topology: tpu7x:2x2x1
jax: 0.10.2.dev20260603
libtpu: 0.0.44.dev20260713+nightly
codegen_flags: <defaults>
</compile_context>

<pallas_src>
import functools

import jax
import jax.numpy as jnp
from jax import lax
from jax.experimental import pallas as pl
from jax.experimental.pallas import tpu as pltpu
from jax.experimental.pallas import tpu_sc as plsc

N = 10000
NP = 10240
D = 128
DH = 64
E = 320000
CH = 128
GB = 9
NGRP = 18
NCH = GB * NGRP
EP = 16 * NCH * CH
RPT = NP // 16
RB = 64
NB = RPT // RB
NTT = NCH // 3


def _sc_propagate(x2, srcb, dstb):
    mesh = plsc.VectorSubcoreMesh(core_axis_name="c", subcore_axis_name="s")

    @functools.partial(
        pl.kernel,
        out_type=[
            jax.ShapeDtypeStruct((2, NP, DH), jnp.float32),
            jax.ShapeDtypeStruct((NP, 16), jnp.float32),
        ],
        mesh=mesh,
        compiler_params=pltpu.CompilerParams(use_tc_tiling_on_sc=False),
        scratch_types=[
            pltpu.VMEM((2, GB, CH), jnp.int32),
            pltpu.VMEM((2, GB, CH), jnp.int32),
            pltpu.VMEM((CH, DH), jnp.float32),
            pltpu.VMEM((CH, DH), jnp.float32),
            pltpu.VMEM((CH, DH), jnp.float32),
            pltpu.VMEM((RB, DH), jnp.float32),
            pltpu.VMEM((RB, 16), jnp.float32),
            pltpu.VMEM((CH, 16), jnp.float32),
            pltpu.VMEM_SHARED((NP, DH), jnp.float32),
            pltpu.VMEM_SHARED((NP, DH), jnp.float32),
            pltpu.VMEM_SHARED((NP, 16), jnp.float32),
            pltpu.SemaphoreType.DMA,
            pltpu.SemaphoreType.DMA,
            pltpu.SemaphoreType.DMA,
            pltpu.SemaphoreType.DMA,
        ],
    )
    def k(x2_h, src_h, dst_h, out_h, dinv_h, src_v, dst_v, rows_a, rows_b,
          rows_c, buf, dloc, ones_v, y_sh, acc_sh, deg_sh, sem_g, sem_s,
          sem_d, sem_i):
        c = lax.axis_index("c")
        s = lax.axis_index("s")
        row0 = s * RPT
        own = pl.ds(row0, RPT)
        rings = (rows_a, rows_b, rows_c)

        z16 = jnp.zeros((16,), jnp.float32)
        o16 = jnp.ones((16,), jnp.float32)

        def z_body(r, carry):
            dloc[r] = z16
            return carry

        lax.fori_loop(0, RB, z_body, 0)

        def o_body(r, carry):
            ones_v[r] = o16
            return carry

        lax.fori_loop(0, CH, o_body, 0)

        def zc_body(cb, carry):
            pltpu.sync_copy(dloc, deg_sh.at[pl.ds(row0 + cb * RB, RB)])
            return carry

        lax.fori_loop(0, NB, zc_body, 0)
        pltpu.sync_copy(x2_h.at[own, pl.ds(c * DH, DH)], y_sh.at[own])
        plsc.subcore_barrier()

        pltpu.sync_copy(dst_h.at[s, pl.ds(0, GB)], dst_v.at[0])

        def deg_group(g, carry):
            p = lax.rem(g, 2)

            @pl.when(g > 0)
            def _():
                pltpu.make_async_copy(
                    dst_h.at[s, pl.ds(0, GB)], dst_v.at[0], sem_i).wait()

            @pl.when(g + 1 < NGRP)
            def _():
                pltpu.async_copy(dst_h.at[s, pl.ds((g + 1) * GB, GB)],
                                 dst_v.at[lax.rem(g + 1, 2)], sem_i)

            def deg_fire(j, carry2):
                pltpu.async_copy(ones_v, deg_sh.at[dst_v.at[p, j]], sem_d,
                                 add=True)
                return carry2

            lax.fori_loop(0, GB, deg_fire, 0)

            def deg_drain(j, carry2):
                pltpu.make_async_copy(
                    ones_v, deg_sh.at[dst_v.at[0, 0]], sem_d).wait()
                return carry2

            lax.fori_loop(0, GB, deg_drain, 0)
            return carry

        lax.fori_loop(0, NGRP, deg_group, 0)
        plsc.subcore_barrier()

        def dinv_chunk(cb, carry):
            sl = pl.ds(row0 + cb * RB, RB)
            pltpu.sync_copy(deg_sh.at[sl], dloc)

            def dinv_body(r, carry2):
                d = dloc[r] + 1.0
                i = lax.bitcast_convert_type(d, jnp.int32)
                i = jnp.int32(0x5F3759DF) - (i >> 1)
                q = lax.bitcast_convert_type(i, jnp.float32)
                q = q * (1.5 - 0.5 * d * q * q)
                q = q * (1.5 - 0.5 * d * q * q)
                q = q * (1.5 - 0.5 * d * q * q)
                dloc[r] = q
                return carry2

            lax.fori_loop(0, RB, dinv_body, 0)
            pltpu.sync_copy(dloc, deg_sh.at[sl])
            return carry

        lax.fori_loop(0, NB, dinv_chunk, 0)

        def scale_rows(power):
            def chunk_body(cb, carry):
                sl = pl.ds(row0 + cb * RB, RB)
                src_ref = y_sh.at[sl] if power == 1 else acc_sh.at[sl]
                pltpu.sync_copy(src_ref, buf)
                pltpu.sync_copy(deg_sh.at[sl], dloc)

                def row_body(r, carry2):
                    dv = dloc[r]
                    if power == 2:
                        dv = dv * dv
                    for jj in range(DH // 16):
                        csl = pl.ds(jj * 16, 16)
                        buf[r, csl] = buf[r, csl] * dv
                    return carry2

                lax.fori_loop(0, RB, row_body, 0)
                pltpu.sync_copy(buf, y_sh.at[sl])
                pltpu.sync_copy(buf, acc_sh.at[sl])
                return carry

            lax.fori_loop(0, NB, chunk_body, 0)

        scale_rows(1)
        plsc.subcore_barrier()

        def sidx(j):
            return lax.rem(lax.div(j, GB), 2), lax.rem(j, GB)

        def i_start(gidx):
            p = lax.rem(gidx, 2)
            sl = pl.ds(gidx * GB, GB)
            pltpu.async_copy(src_h.at[s, sl], src_v.at[p], sem_i)
            pltpu.async_copy(dst_h.at[s, sl], dst_v.at[p], sem_i)

        def i_wait():
            pltpu.make_async_copy(
                src_h.at[s, pl.ds(0, GB)], src_v.at[0], sem_i).wait()
            pltpu.make_async_copy(
                dst_h.at[s, pl.ds(0, GB)], dst_v.at[0], sem_i).wait()

        def g_start(j, dst_buf):
            p, r = sidx(j)
            pltpu.async_copy(y_sh.at[src_v.at[p, r]], dst_buf, sem_g)

        def g_wait(dst_buf):
            pltpu.make_async_copy(
                y_sh.at[src_v.at[0, 0]], dst_buf, sem_g).wait()

        def s_start(j, src_buf):
            p, r = sidx(j)
            pltpu.async_copy(src_buf, acc_sh.at[dst_v.at[p, r]], sem_s,
                             add=True)

        def s_wait(src_buf):
            pltpu.make_async_copy(
                src_buf, acc_sh.at[dst_v.at[0, 0]], sem_s).wait()

        def hop():
            pltpu.sync_copy(src_h.at[s, pl.ds(0, GB)], src_v.at[0])
            pltpu.sync_copy(dst_h.at[s, pl.ds(0, GB)], dst_v.at[0])
            g_start(0, rows_a)
            g_start(1, rows_b)

            def triple(m, carry2):
                j0 = 3 * m
                for kk in range(3):
                    jj = j0 + kk
                    bcur = rings[kk]
                    bprev = rings[(kk + 2) % 3]
                    g_wait(bcur)
                    s_start(jj, bcur)
                    if kk == 0:
                        @pl.when(m > 0)
                        def _():
                            s_wait(bprev)

                        gnext = lax.div(jj, GB) + 1

                        @pl.when((lax.rem(jj, GB) == 0) & (gnext < NGRP))
                        def _():
                            i_start(gnext)

                        g_start(jj + 2, bprev)
                    else:
                        s_wait(bprev)
                        jf = jj + 2

                        @pl.when((lax.rem(jf, GB) == 0) & (jf < NCH))
                        def _():
                            i_wait()

                        @pl.when(jf < NCH)
                        def _():
                            g_start(jf, bprev)
                return carry2

            lax.fori_loop(0, NTT, triple, 0)
            s_wait(rows_c)

        hop()
        plsc.subcore_barrier()

        scale_rows(2)
        plsc.subcore_barrier()

        hop()
        plsc.subcore_barrier()

        pltpu.sync_copy(acc_sh.at[own], out_h.at[c, own])

        @pl.when(c == 0)
        def _():
            pltpu.sync_copy(deg_sh.at[own], dinv_h.at[own])

    return k(x2, srcb, dstb)


def _tc_linear(h2, dinvs, W, b):
    def body(h2_ref, dinv_ref, w_ref, b_ref, o_ref):
        h = jnp.concatenate([h2_ref[0], h2_ref[1]], axis=1)[:N]
        h = h * dinv_ref[:N, 0:1]
        o_ref[...] = lax.dot_general(
            h, w_ref[...], (((1,), (1,)), ((), ())),
            preferred_element_type=jnp.float32) + b_ref[...]

    return pl.pallas_call(
        body,
        out_shape=jax.ShapeDtypeStruct((N, D), jnp.float32),
    )(h2, dinvs, W, b)


@jax.jit
def kernel(x, edge_index, W, b):
    src = edge_index[0].astype(jnp.int32)
    dst = edge_index[1].astype(jnp.int32)
    pad = jnp.full((EP - E,), N, jnp.int32)
    srcb = jnp.concatenate([src, pad]).reshape(16, NCH, CH)
    dstb = jnp.concatenate([dst, pad]).reshape(16, NCH, CH)
    xp = jnp.concatenate([x, jnp.zeros((NP - N, D), x.dtype)])
    h2, dinvs = _sc_propagate(xp, srcb, dstb)
    return _tc_linear(h2, dinvs, W, b)

# --- scband reference (transcript-rebuilt; emitter-appended) ---
"""Pipeline reference for scband-sgc-10368051053145 (READ-ONLY COPY).

The authoritative reference and input builder live on the scoring server;
editing this copy changes nothing except your own understanding.
"""

import jax, jax.numpy as jnp
import numpy as np

N_NODES = 10000
N_EDGES = 320000
D_IN = 128
D_OUT = 128
K_HOPS = 2


def setup_inputs(seed: int = 0) -> dict:
    key = jax.random.key(seed)
    k1, k2, k3, k4 = jax.random.split(key, 4)
    x = jax.random.normal(k1, (N_NODES, D_IN), dtype=jnp.float32)
    edge_index = jax.random.randint(k2, (2, N_EDGES), 0, N_NODES, dtype=jnp.int64)
    # SGConv linear layer params (PyG Linear: weight [out, in], bias [out])
    limit = 1.0 / np.sqrt(D_IN)
    W = jax.random.uniform(k3, (D_OUT, D_IN), dtype=jnp.float32, minval=-limit, maxval=limit)
    b = jax.random.uniform(k4, (D_OUT,), dtype=jnp.float32, minval=-limit, maxval=limit)
    return {"x": x, "edge_index": edge_index, "W": W, "b": b}


def reference(x, edge_index, W, b):
    N = x.shape[0]
    # GCN normalization with added self-loops (PyG gcn_norm, add_self_loops=True)
    loop = jnp.arange(N, dtype=edge_index.dtype)
    src = jnp.concatenate([edge_index[0], loop])
    dst = jnp.concatenate([edge_index[1], loop])
    edge_weight = jnp.ones(src.shape[0], dtype=x.dtype)
    deg = jnp.zeros((N,), dtype=x.dtype).at[dst].add(edge_weight)
    deg_inv_sqrt = jnp.where(deg > 0, deg ** -0.5, 0.0)
    norm = deg_inv_sqrt[src] * edge_weight * deg_inv_sqrt[dst]
    # K-hop propagation: x <- A_hat x, repeated K times
    h = x
    for _ in range(K_HOPS):
        msg = h[src] * norm[:, None]
        h = jnp.zeros_like(h).at[dst].add(msg)
    # final linear transform
    out = h @ W.T + b
    return out

if __name__ == "__main__":
    import jax
    _d = setup_inputs()
    print(jax.jit(kernel)(*tuple(_d.values())))

</pallas_src>

<mosaic_0001>
#map = affine_map<(d0, d1) -> (0, 0)>
#map1 = affine_map<(d0, d1) -> (0, 0, 0)>
module attributes {stable_mosaic.version = 14 : i64} {
  func.func @k(%arg0: i32, %arg1: i32, %arg2: memref<10240x128xf32, #tpu.memory_space<hbm>>, %arg3: memref<16x162x128xi32, #tpu.memory_space<hbm>>, %arg4: memref<16x162x128xi32, #tpu.memory_space<hbm>>, %arg5: memref<2x10240x64xf32, #tpu.memory_space<hbm>>, %arg6: memref<10240x16xf32, #tpu.memory_space<hbm>>, %arg7: memref<2x9x128xi32, #tpu.memory_space<vmem>>, %arg8: memref<2x9x128xi32, #tpu.memory_space<vmem>>, %arg9: memref<128x64xf32, #tpu.memory_space<vmem>>, %arg10: memref<128x64xf32, #tpu.memory_space<vmem>>, %arg11: memref<128x64xf32, #tpu.memory_space<vmem>>, %arg12: memref<64x64xf32, #tpu.memory_space<vmem>>, %arg13: memref<64x16xf32, #tpu.memory_space<vmem>>, %arg14: memref<128x16xf32, #tpu.memory_space<vmem>>, %arg15: memref<10240x64xf32, #tpu.memory_space<vmem_shared>>, %arg16: memref<10240x64xf32, #tpu.memory_space<vmem_shared>>, %arg17: memref<10240x16xf32, #tpu.memory_space<vmem_shared>>, %arg18: memref<!tpu.dma_semaphore, #tpu.memory_space<semaphore_mem>>, %arg19: memref<!tpu.dma_semaphore, #tpu.memory_space<semaphore_mem>>, %arg20: memref<!tpu.dma_semaphore, #tpu.memory_space<semaphore_mem>>, %arg21: memref<!tpu.dma_semaphore, #tpu.memory_space<semaphore_mem>>) attributes {dimension_semantics = [#tpu.dimension_semantics<core_parallel>, #tpu.dimension_semantics<subcore_parallel>], iteration_bounds = array<i64: 2, 16>, scalar_prefetch = 0 : i64, scratch_operands = 15 : i64, tpu.core_type = #tpu.core_type<sc_vector_subcore>, window_params = [{transform_indices = #map}, {transform_indices = #map1}, {transform_indices = #map1}, {transform_indices = #map1}, {transform_indices = #map}]} {
    %mul3A = arith.constant 640 : i32
    %mul3A_0 = arith.muli %arg1, %mul3A : i32
    %broadcast_in_dim3A = arith.constant 0.000000e+00 : f32
    %broadcast_in_dim3A_1 = vector.broadcast %broadcast_in_dim3A : f32 to vector<16xf32>
    %broadcast_in_dim3A_2 = arith.constant 1.000000e+00 : f32
    %broadcast_in_dim3A_3 = vector.broadcast %broadcast_in_dim3A_2 : f32 to vector<16xf32>
    %scan3A = arith.constant 0 : i32
    %scan3A_4 = arith.constant 0 : i32
    %scan3A_5 = arith.constant 64 : i32
    %scan3A_6 = arith.addi %scan3A_4, %scan3A_5 : i32
    %scan3A_7 = arith.constant 1 : i32
    scf.for %scan3A_138 = %scan3A_4 to %scan3A_6 step %scan3A_7  : i32 {
      %swap3A = arith.index_cast %scan3A_138 : i32 to index
      %swap3A_139 = arith.constant 0 : index
      %swap3A_140 = tpu.vector_load %arg13[%swap3A, %swap3A_139] {strides = array<i32>} : memref<64x16xf32, #tpu.memory_space<vmem>>, vector<1x16xf32>,
      %swap3A_141 = vector.shape_cast %swap3A_140 : vector<1x16xf32> to vector<16xf32>
      %swap3A_142 = vector.shape_cast %broadcast_in_dim3A_1 : vector<16xf32> to vector<1x16xf32>
      tpu.vector_store %arg13[%swap3A, %swap3A_139], %swap3A_142 {strides = array<i32>} : memref<64x16xf32, #tpu.memory_space<vmem>>, vector<1x16xf32>,
    }
    %scan3A_8 = arith.constant 64 : i32
    %scan3A_9 = arith.constant 0 : i32
    %scan3A_10 = arith.constant 0 : i32
    %scan3A_11 = arith.constant 128 : i32
    %scan3A_12 = arith.addi %scan3A_10, %scan3A_11 : i32
    %scan3A_13 = arith.constant 1 : i32
    scf.for %scan3A_138 = %scan3A_10 to %scan3A_12 step %scan3A_13  : i32 {
      %swap3A = arith.index_cast %scan3A_138 : i32 to index
      %swap3A_139 = arith.constant 0 : index
      %swap3A_140 = tpu.vector_load %arg14[%swap3A, %swap3A_139] {strides = array<i32>} : memref<128x16xf32, #tpu.memory_space<vmem>>, vector<1x16xf32>,
      %swap3A_141 = vector.shape_cast %swap3A_140 : vector<1x16xf32> to vector<16xf32>
      %swap3A_142 = vector.shape_cast %broadcast_in_dim3A_3 : vector<16xf32> to vector<1x16xf32>
      tpu.vector_store %arg14[%swap3A, %swap3A_139], %swap3A_142 {strides = array<i32>} : memref<128x16xf32, #tpu.memory_space<vmem>>, vector<1x16xf32>,
    }
    %scan3A_14 = arith.constant 128 : i32
    %scan3A_15 = arith.constant 0 : i32
    %scan3A_16 = arith.constant 0 : i32
    %scan3A_17 = arith.constant 10 : i32
    %scan3A_18 = arith.addi %scan3A_16, %scan3A_17 : i32
    %scan3A_19 = arith.constant 1 : i32
    scf.for %scan3A_138 = %scan3A_16 to %scan3A_18 step %scan3A_19  : i32 {
      %mul3A_139 = arith.constant 64 : i32
      %mul3A_140 = arith.muli %scan3A_138, %mul3A_139 : i32
      %add3A = arith.addi %mul3A_0, %mul3A_140 : i32
      "tpu.region"() ({
        %run_scoped3A_141 = tpu.sem_alloc : memref<!tpu.dma_semaphore, #tpu.memory_space<semaphore_mem>>
        %dma_start3A_142 = arith.constant 0 : i32
        %dma_start3A_143 = tpu.memref_slice %arg17[%add3A, %dma_start3A_142] : memref<10240x16xf32, #tpu.memory_space<vmem_shared>> -> memref<64x16xf32, #tpu.memory_space<vmem_shared>>
        %dma_start3A_144 = arith.constant 0 : i32
        %dma_start3A_145 = tpu.memref_slice %arg17[%add3A, %dma_start3A_144] : memref<10240x16xf32, #tpu.memory_space<vmem_shared>> -> memref<64x16xf32, #tpu.memory_space<vmem_shared>>
        tpu.enqueue_dma source(%arg13 : memref<64x16xf32, #tpu.memory_space<vmem>>) target(%dma_start3A_145 : memref<64x16xf32, #tpu.memory_space<vmem_shared>>) target_semaphore(%run_scoped3A_141 : memref<!tpu.dma_semaphore, #tpu.memory_space<semaphore_mem>>)
        %dma_wait3A_146 = arith.constant 0 : i32
        %dma_wait3A_147 = tpu.memref_slice %arg17[%add3A, %dma_wait3A_146] : memref<10240x16xf32, #tpu.memory_space<vmem_shared>> -> memref<64x16xf32, #tpu.memory_space<vmem_shared>>
        %dma_wait3A_148 = arith.constant 0 : i32
        %dma_wait3A_149 = tpu.memref_slice %arg17[%add3A, %dma_wait3A_148] : memref<10240x16xf32, #tpu.memory_space<vmem_shared>> -> memref<64x16xf32, #tpu.memory_space<vmem_shared>>
        tpu.wait_dma2 semaphore(%run_scoped3A_141 : memref<!tpu.dma_semaphore, #tpu.memory_space<semaphore_mem>>) src(%arg13 : memref<64x16xf32, #tpu.memory_space<vmem>>) dst(%dma_wait3A_149 : memref<64x16xf32, #tpu.memory_space<vmem_shared>>)
        tpu.yield
      }) : () -> ()
    }
    %scan3A_20 = arith.constant 10 : i32
    %mul3A_21 = arith.constant 64 : i32
    %mul3A_22 = arith.muli %arg0, %mul3A_21 : i32
    "tpu.region"() ({
      %run_scoped3A_138 = tpu.sem_alloc : memref<!tpu.dma_semaphore, #tpu.memory_space<semaphore_mem>>
      %dma_start3A_139 = arith.constant 0 : i32
      %dma_start3A_140 = tpu.memref_slice %arg15[%mul3A_0, %dma_start3A_139] : memref<10240x64xf32, #tpu.memory_space<vmem_shared>> -> memref<640x64xf32, #tpu.memory_space<vmem_shared>>
      %dma_start3A_141 = tpu.memref_slice %arg2[%mul3A_0, %mul3A_22] : memref<10240x128xf32, #tpu.memory_space<hbm>> -> memref<640x64xf32, #tpu.memory_space<hbm>>
      tpu.enqueue_dma source(%dma_start3A_141 : memref<640x64xf32, #tpu.memory_space<hbm>>) target(%dma_start3A_140 : memref<640x64xf32, #tpu.memory_space<vmem_shared>>) target_semaphore(%run_scoped3A_138 : memref<!tpu.dma_semaphore, #tpu.memory_space<semaphore_mem>>)
      %dma_wait3A_142 = arith.constant 0 : i32
      %dma_wait3A_143 = tpu.memref_slice %arg15[%mul3A_0, %dma_wait3A_142] : memref<10240x64xf32, #tpu.memory_space<vmem_shared>> -> memref<640x64xf32, #tpu.memory_space<vmem_shared>>
      %dma_wait3A_144 = tpu.memref_slice %arg2[%mul3A_0, %mul3A_22] : memref<10240x128xf32, #tpu.memory_space<hbm>> -> memref<640x64xf32, #tpu.memory_space<hbm>>
      tpu.wait_dma2 semaphore(%run_scoped3A_138 : memref<!tpu.dma_semaphore, #tpu.memory_space<semaphore_mem>>) src(%dma_wait3A_144 : memref<640x64xf32, #tpu.memory_space<hbm>>) dst(%dma_wait3A_143 : memref<640x64xf32, #tpu.memory_space<vmem_shared>>)
      tpu.yield
    }) : () -> ()
    %barrier3A = arith.constant 0 : index
    tpu.barrier barrier_id(%barrier3A)
    %run_scoped3A = arith.constant 0 : i32
    "tpu.region"() ({
      %run_scoped3A_138 = tpu.sem_alloc : memref<!tpu.dma_semaphore, #tpu.memory_space<semaphore_mem>>
      %dma_start3A_139 = arith.constant 0 : i32
      %dma_start3A_140 = arith.constant 0 : i32
      %dma_start3A_141 = tpu.memref_slice %arg8[%run_scoped3A, %dma_start3A_139, %dma_start3A_140] : memref<2x9x128xi32, #tpu.memory_space<vmem>> -> memref<1x9x128xi32, #tpu.memory_space<vmem>>
      %dma_start3A_142 = tpu.memref_squeeze %dma_start3A_141 : memref<1x9x128xi32, #tpu.memory_space<vmem>> -> memref<9x128xi32, #tpu.memory_space<vmem>>
      %dma_start3A_143 = arith.constant 0 : i32
      %dma_start3A_144 = arith.constant 0 : i32
      %dma_start3A_145 = tpu.memref_slice %arg4[%arg1, %dma_start3A_143, %dma_start3A_144] : memref<16x162x128xi32, #tpu.memory_space<hbm>> -> memref<1x9x128xi32, #tpu.memory_space<hbm>>
      %dma_start3A_146 = tpu.memref_squeeze %dma_start3A_145 : memref<1x9x128xi32, #tpu.memory_space<hbm>> -> memref<9x128xi32, #tpu.memory_space<hbm>>
      %dma_start3A_147 = arith.constant 0 : i32
      %dma_start3A_148 = arith.constant 0 : i32
      %dma_start3A_149 = tpu.memref_slice %arg8[%run_scoped3A, %dma_start3A_147, %dma_start3A_148] : memref<2x9x128xi32, #tpu.memory_space<vmem>> -> memref<1x9x128xi32, #tpu.memory_space<vmem>>
      %dma_start3A_150 = tpu.memref_squeeze %dma_start3A_149 : memref<1x9x128xi32, #tpu.memory_space<vmem>> -> memref<9x128xi32, #tpu.memory_space<vmem>>
      %dma_start3A_151 = arith.constant 0 : i32
      %dma_start3A_152 = arith.constant 0 : i32
      %dma_start3A_153 = tpu.memref_slice %arg4[%arg1, %dma_start3A_151, %dma_start3A_152] : memref<16x162x128xi32, #tpu.memory_space<hbm>> -> memref<1x9x128xi32, #tpu.memory_space<hbm>>
      %dma_start3A_154 = tpu.memref_squeeze %dma_start3A_153 : memref<1x9x128xi32, #tpu.memory_space<hbm>> -> memref<9x128xi32, #tpu.memory_space<hbm>>
      tpu.enqueue_dma source(%dma_start3A_154 : memref<9x128xi32, #tpu.memory_space<hbm>>) target(%dma_start3A_150 : memref<9x128xi32, #tpu.memory_space<vmem>>) target_semaphore(%run_scoped3A_138 : memref<!tpu.dma_semaphore, #tpu.memory_space<semaphore_mem>>)
      %dma_wait3A_155 = arith.constant 0 : i32
      %dma_wait3A_156 = arith.constant 0 : i32
      %dma_wait3A_157 = tpu.memref_slice %arg8[%run_scoped3A, %dma_wait3A_155, %dma_wait3A_156] : memref<2x9x128xi32, #tpu.memory_space<vmem>> -> memref<1x9x128xi32, #tpu.memory_space<vmem>>
      %dma_wait3A_158 = tpu.memref_squeeze %dma_wait3A_157 : memref<1x9x128xi32, #tpu.memory_space<vmem>> -> memref<9x128xi32, #tpu.memory_space<vmem>>
      %dma_wait3A_159 = arith.constant 0 : i32
      %dma_wait3A_160 = arith.constant 0 : i32
      %dma_wait3A_161 = tpu.memref_slice %arg4[%arg1, %dma_wait3A_159, %dma_wait3A_160] : memref<16x162x128xi32, #tpu.memory_space<hbm>> -> memref<1x9x128xi32, #tpu.memory_space<hbm>>
      %dma_wait3A_162 = tpu.memref_squeeze %dma_wait3A_161 : memref<1x9x128xi32, #tpu.memory_space<hbm>> -> memref<9x128xi32, #tpu.memory_space<hbm>>
      %dma_wait3A_163 = arith.constant 0 : i32
      %dma_wait3A_164 = arith.constant 0 : i32
      %dma_wait3A_165 = tpu.memref_slice %arg8[%run_scoped3A, %dma_wait3A_163, %dma_wait3A_164] : memref<2x9x128xi32, #tpu.memory_space<vmem>> -> memref<1x9x128xi32, #tpu.memory_space<vmem>>
      %dma_wait3A_166 = tpu.memref_squeeze %dma_wait3A_165 : memref<1x9x128xi32, #tpu.memory_space<vmem>> -> memref<9x128xi32, #tpu.memory_space<vmem>>
      %dma_wait3A_167 = arith.constant 0 : i32
      %dma_wait3A_168 = arith.constant 0 : i32
      %dma_wait3A_169 = tpu.memref_slice %arg4[%arg1, %dma_wait3A_167, %dma_wait3A_168] : memref<16x162x128xi32, #tpu.memory_space<hbm>> -> memref<1x9x128xi32, #tpu.memory_space<hbm>>
      %dma_wait3A_170 = tpu.memref_squeeze %dma_wait3A_169 : memref<1x9x128xi32, #tpu.memory_space<hbm>> -> memref<9x128xi32, #tpu.memory_space<hbm>>
      tpu.wait_dma2 semaphore(%run_scoped3A_138 : memref<!tpu.dma_semaphore, #tpu.memory_space<semaphore_mem>>) src(%dma_wait3A_170 : memref<9x128xi32, #tpu.memory_space<hbm>>) dst(%dma_wait3A_166 : memref<9x128xi32, #tpu.memory_space<vmem>>)
      tpu.yield
    }) : () -> ()
    %scan3A_23 = arith.constant 0 : i32
    %scan3A_24 = arith.constant 0 : i32
    %scan3A_25 = arith.constant 18 : i32
    %scan3A_26 = arith.addi %scan3A_24, %scan3A_25 : i32
    %scan3A_27 = arith.constant 1 : i32
    scf.for %scan3A_138 = %scan3A_24 to %scan3A_26 step %scan3A_27  : i32 {
      %rem3A_139 = arith.constant 2 : i32
      %rem3A_140 = arith.remsi %scan3A_138, %rem3A_139 : i32
      %gt3A = arith.constant 0 : i32
      %gt3A_141 = arith.cmpi sgt, %scan3A_138, %gt3A : i32
      %convert_element_type3A_142 = arith.extui %gt3A_141 : i1 to i32
      %cond3A_143 = arith.constant 0 : i32
      %cond3A_144 = arith.cmpi ne, %convert_element_type3A_142, %cond3A_143 : i32
      scf.if %cond3A_144 {
        %dma_wait3A_162 = arith.constant 0 : i32
        %dma_wait3A_163 = arith.constant 0 : i32
        %dma_wait3A_164 = arith.constant 0 : i32
        %dma_wait3A_165 = tpu.memref_slice %arg8[%dma_wait3A_162, %dma_wait3A_163, %dma_wait3A_164] : memref<2x9x128xi32, #tpu.memory_space<vmem>> -> memref<1x9x128xi32, #tpu.memory_space<vmem>>
        %dma_wait3A_166 = tpu.memref_squeeze %dma_wait3A_165 : memref<1x9x128xi32, #tpu.memory_space<vmem>> -> memref<9x128xi32, #tpu.memory_space<vmem>>
        %dma_wait3A_167 = arith.constant 0 : i32
        %dma_wait3A_168 = arith.constant 0 : i32
        %dma_wait3A_169 = tpu.memref_slice %arg4[%arg1, %dma_wait3A_167, %dma_wait3A_168] : memref<16x162x128xi32, #tpu.memory_space<hbm>> -> memref<1x9x128xi32, #tpu.memory_space<hbm>>
        %dma_wait3A_170 = tpu.memref_squeeze %dma_wait3A_169 : memref<1x9x128xi32, #tpu.memory_space<hbm>> -> memref<9x128xi32, #tpu.memory_space<hbm>>
        %dma_wait3A_171 = arith.constant 0 : i32
        %dma_wait3A_172 = arith.constant 0 : i32
        %dma_wait3A_173 = tpu.memref_slice %arg8[%dma_wait3A_162, %dma_wait3A_171, %dma_wait3A_172] : memref<2x9x128xi32, #tpu.memory_space<vmem>> -> memref<1x9x128xi32, #tpu.memory_space<vmem>>
        %dma_wait3A_174 = tpu.memref_squeeze %dma_wait3A_173 : memref<1x9x128xi32, #tpu.memory_space<vmem>> -> memref<9x128xi32, #tpu.memory_space<vmem>>
        %dma_wait3A_175 = arith.constant 0 : i32
        %dma_wait3A_176 = arith.constant 0 : i32
        %dma_wait3A_177 = tpu.memref_slice %arg4[%arg1, %dma_wait3A_175, %dma_wait3A_176] : memref<16x162x128xi32, #tpu.memory_space<hbm>> -> memref<1x9x128xi32, #tpu.memory_space<hbm>>
        %dma_wait3A_178 = tpu.memref_squeeze %dma_wait3A_177 : memref<1x9x128xi32, #tpu.memory_space<hbm>> -> memref<9x128xi32, #tpu.memory_space<hbm>>
        tpu.wait_dma2 semaphore(%arg21 : memref<!tpu.dma_semaphore, #tpu.memory_space<semaphore_mem>>) src(%dma_wait3A_178 : memref<9x128xi32, #tpu.memory_space<hbm>>) dst(%dma_wait3A_174 : memref<9x128xi32, #tpu.memory_space<vmem>>)
      } else {
      }
      %add3A = arith.constant 1 : i32
      %add3A_145 = arith.addi %scan3A_138, %add3A : i32
      %lt3A = arith.constant 18 : i32
      %lt3A_146 = arith.cmpi slt, %add3A_145, %lt3A : i32
      %convert_element_type3A_147 = arith.extui %lt3A_146 : i1 to i32
      %cond3A_148 = arith.constant 0 : i32
      %cond3A_149 = arith.cmpi ne, %convert_element_type3A_147, %cond3A_148 : i32
      scf.if %cond3A_149 {
        %add3A_162 = arith.constant 1 : i32
        %add3A_163 = arith.addi %scan3A_138, %add3A_162 : i32
        %mul3A_164 = arith.constant 9 : i32
        %mul3A_165 = arith.muli %add3A_163, %mul3A_164 : i32
        %add3A_166 = arith.constant 1 : i32
        %add3A_167 = arith.addi %scan3A_138, %add3A_166 : i32
        %rem3A_168 = arith.constant 2 : i32
        %rem3A_169 = arith.remsi %add3A_167, %rem3A_168 : i32
        %dma_start3A_170 = arith.constant 0 : i32
        %dma_start3A_171 = arith.constant 0 : i32
        %dma_start3A_172 = tpu.memref_slice %arg8[%rem3A_169, %dma_start3A_170, %dma_start3A_171] : memref<2x9x128xi32, #tpu.memory_space<vmem>> -> memref<1x9x128xi32, #tpu.memory_space<vmem>>
        %dma_start3A_173 = tpu.memref_squeeze %dma_start3A_172 : memref<1x9x128xi32, #tpu.memory_space<vmem>> -> memref<9x128xi32, #tpu.memory_space<vmem>>
        %dma_start3A_174 = arith.constant 0 : i32
        %dma_start3A_175 = tpu.memref_slice %arg4[%arg1, %mul3A_165, %dma_start3A_174] : memref<16x162x128xi32, #tpu.memory_space<hbm>> -> memref<1x9x128xi32, #tpu.memory_space<hbm>>
        %dma_start3A_176 = tpu.memref_squeeze %dma_start3A_175 : memref<1x9x128xi32, #tpu.memory_space<hbm>> -> memref<9x128xi32, #tpu.memory_space<hbm>>
        %dma_start3A_177 = arith.constant 0 : i32
        %dma_start3A_178 = arith.constant 0 : i32
        %dma_start3A_179 = tpu.memref_slice %arg8[%rem3A_169, %dma_start3A_177, %dma_start3A_178] : memref<2x9x128xi32, #tpu.memory_space<vmem>> -> memref<1x9x128xi32, #tpu.memory_space<vmem>>
        %dma_start3A_180 = tpu.memref_squeeze %dma_start3A_179 : memref<1x9x128xi32, #tpu.memory_space<vmem>> -> memref<9x128xi32, #tpu.memory_space<vmem>>
        %dma_start3A_181 = arith.constant 0 : i32
        %dma_start3A_182 = tpu.memref_slice %arg4[%arg1, %mul3A_165, %dma_start3A_181] : memref<16x162x128xi32, #tpu.memory_space<hbm>> -> memref<1x9x128xi32, #tpu.memory_space<hbm>>
        %dma_start3A_183 = tpu.memref_squeeze %dma_start3A_182 : memref<1x9x128xi32, #tpu.memory_space<hbm>> -> memref<9x128xi32, #tpu.memory_space<hbm>>
        tpu.enqueue_dma source(%dma_start3A_183 : memref<9x128xi32, #tpu.memory_space<hbm>>) target(%dma_start3A_180 : memref<9x128xi32, #tpu.memory_space<vmem>>) target_semaphore(%arg21 : memref<!tpu.dma_semaphore, #tpu.memory_space<semaphore_mem>>)
      } else {
      }
      %scan3A_150 = arith.constant 0 : i32
      %scan3A_151 = arith.constant 0 : i32
      %scan3A_152 = arith.constant 9 : i32
      %scan3A_153 = arith.addi %scan3A_151, %scan3A_152 : i32
      %scan3A_154 = arith.constant 1 : i32
      scf.for %scan3A_162 = %scan3A_151 to %scan3A_153 step %scan3A_154  : i32 {
        %dma_start3A_163 = arith.constant 0 : i32
        %dma_start3A_164 = tpu.memref_slice %arg8[%rem3A_140, %scan3A_162, %dma_start3A_163] : memref<2x9x128xi32, #tpu.memory_space<vmem>> -> memref<1x1x128xi32, #tpu.memory_space<vmem>>
        %dma_start3A_165 = tpu.memref_squeeze %dma_start3A_164 : memref<1x1x128xi32, #tpu.memory_space<vmem>> -> memref<128xi32, #tpu.memory_space<vmem>>
        %dma_start3A_166 = arith.constant 0 : i32
        %dma_start3A_167 = arith.constant 0 : i32
        %dma_start3A_168 = tpu.memref_slice %arg17[%dma_start3A_166, %dma_start3A_167] : memref<10240x16xf32, #tpu.memory_space<vmem_shared>> -> memref<10240x16xf32, #tpu.memory_space<vmem_shared>>
        tpu.enqueue_indirect_dma source(%arg14 : memref<128x16xf32, #tpu.memory_space<vmem>>) target(%dma_start3A_168 : memref<10240x16xf32, #tpu.memory_space<vmem_shared>>) offsets(%dma_start3A_165 : memref<128xi32, #tpu.memory_space<vmem>>) semaphore(%arg20 : memref<!tpu.dma_semaphore, #tpu.memory_space<semaphore_mem>>) {add = true}
      }
      %scan3A_155 = arith.constant 9 : i32
      %scan3A_156 = arith.constant 0 : i32
      %scan3A_157 = arith.constant 0 : i32
      %scan3A_158 = arith.constant 9 : i32
      %scan3A_159 = arith.addi %scan3A_157, %scan3A_158 : i32
      %scan3A_160 = arith.constant 1 : i32
      scf.for %scan3A_162 = %scan3A_157 to %scan3A_159 step %scan3A_160  : i32 {
        %dma_wait3A_163 = arith.constant 0 : i32
        %dma_wait3A_164 = arith.constant 0 : i32
        %dma_wait3A_165 = arith.constant 0 : i32
        %dma_wait3A_166 = tpu.memref_slice %arg8[%dma_wait3A_163, %dma_wait3A_164, %dma_wait3A_165] : memref<2x9x128xi32, #tpu.memory_space<vmem>> -> memref<1x1x128xi32, #tpu.memory_space<vmem>>
        %dma_wait3A_167 = tpu.memref_squeeze %dma_wait3A_166 : memref<1x1x128xi32, #tpu.memory_space<vmem>> -> memref<128xi32, #tpu.memory_space<vmem>>
        %dma_wait3A_168 = arith.constant 0 : i32
        %dma_wait3A_169 = arith.constant 0 : i32
        %dma_wait3A_170 = tpu.memref_slice %arg17[%dma_wait3A_168, %dma_wait3A_169] : memref<10240x16xf32, #tpu.memory_space<vmem_shared>> -> memref<10240x16xf32, #tpu.memory_space<vmem_shared>>
        tpu.wait_indirect_dma semaphore(%arg20 : memref<!tpu.dma_semaphore, #tpu.memory_space<semaphore_mem>>) src(%arg14 : memref<128x16xf32, #tpu.memory_space<vmem>>) dst(%dma_wait3A_170 : memref<10240x16xf32, #tpu.memory_space<vmem_shared>>)
      }
      %scan3A_161 = arith.constant 9 : i32
    }
    %scan3A_28 = arith.constant 18 : i32
    %barrier3A_29 = arith.constant 0 : index
    tpu.barrier barrier_id(%barrier3A_29)
    %scan3A_30 = arith.constant 0 : i32
    %scan3A_31 = arith.constant 0 : i32
    %scan3A_32 = arith.constant 10 : i32
    %scan3A_33 = arith.addi %scan3A_31, %scan3A_32 : i32
    %scan3A_34 = arith.constant 1 : i32
    scf.for %scan3A_138 = %scan3A_31 to %scan3A_33 step %scan3A_34  : i32 {
      %mul3A_139 = arith.constant 64 : i32
      %mul3A_140 = arith.muli %scan3A_138, %mul3A_139 : i32
      %add3A = arith.addi %mul3A_0, %mul3A_140 : i32
      "tpu.region"() ({
        %run_scoped3A_147 = tpu.sem_alloc : memref<!tpu.dma_semaphore, #tpu.memory_space<semaphore_mem>>
        %dma_start3A_148 = arith.constant 0 : i32
        %dma_start3A_149 = tpu.memref_slice %arg17[%add3A, %dma_start3A_148] : memref<10240x16xf32, #tpu.memory_space<vmem_shared>> -> memref<64x16xf32, #tpu.memory_space<vmem_shared>>
        %dma_start3A_150 = arith.constant 0 : i32
        %dma_start3A_151 = tpu.memref_slice %arg17[%add3A, %dma_start3A_150] : memref<10240x16xf32, #tpu.memory_space<vmem_shared>> -> memref<64x16xf32, #tpu.memory_space<vmem_shared>>
        tpu.enqueue_dma source(%dma_start3A_151 : memref<64x16xf32, #tpu.memory_space<vmem_shared>>) target(%arg13 : memref<64x16xf32, #tpu.memory_space<vmem>>) target_semaphore(%run_scoped3A_147 : memref<!tpu.dma_semaphore, #tpu.memory_space<semaphore_mem>>)
        %dma_wait3A_152 = arith.constant 0 : i32
        %dma_wait3A_153 = tpu.memref_slice %arg17[%add3A, %dma_wait3A_152] : memref<10240x16xf32, #tpu.memory_space<vmem_shared>> -> memref<64x16xf32, #tpu.memory_space<vmem_shared>>
        %dma_wait3A_154 = arith.constant 0 : i32
        %dma_wait3A_155 = tpu.memref_slice %arg17[%add3A, %dma_wait3A_154] : memref<10240x16xf32, #tpu.memory_space<vmem_shared>> -> memref<64x16xf32, #tpu.memory_space<vmem_shared>>
        tpu.wait_dma2 semaphore(%run_scoped3A_147 : memref<!tpu.dma_semaphore, #tpu.memory_space<semaphore_mem>>) src(%dma_wait3A_155 : memref<64x16xf32, #tpu.memory_space<vmem_shared>>) dst(%arg13 : memref<64x16xf32, #tpu.memory_space<vmem>>)
        tpu.yield
      }) : () -> ()
      %scan3A_141 = arith.constant 0 : i32
      %scan3A_142 = arith.constant 0 : i32
      %scan3A_143 = arith.constant 64 : i32
      %scan3A_144 = arith.addi %scan3A_142, %scan3A_143 : i32
      %scan3A_145 = arith.constant 1 : i32
      scf.for %scan3A_147 = %scan3A_142 to %scan3A_144 step %scan3A_145  : i32 {
        %get3A = arith.index_cast %scan3A_147 : i32 to index
        %get3A_148 = arith.constant 0 : index
        %get3A_149 = tpu.vector_load %arg13[%get3A, %get3A_148] {strides = array<i32>} : memref<64x16xf32, #tpu.memory_space<vmem>>, vector<1x16xf32>,
        %get3A_150 = vector.shape_cast %get3A_149 : vector<1x16xf32> to vector<16xf32>
        %add3A_151 = arith.constant 1.000000e+00 : f32
        %add3A_152 = vector.broadcast %add3A_151 : f32 to vector<16xf32>
        %add3A_153 = arith.addf %get3A_150, %add3A_152 : vector<16xf32>
        %bitcast_convert_type3A = tpu.bitcast %add3A_153 : vector<16xf32> -> vector<16xi32>
        %shift_right_arithmetic3A = arith.constant 1 : i32
        %shift_right_arithmetic3A_154 = vector.broadcast %shift_right_arithmetic3A : i32 to vector<16xi32>
        %shift_right_arithmetic3A_155 = arith.shrsi %bitcast_convert_type3A, %shift_right_arithmetic3A_154 : vector<16xi32>
        %sub3A = arith.constant 1597463007 : i32
        %sub3A_156 = vector.broadcast %sub3A : i32 to vector<16xi32>
        %sub3A_157 = arith.subi %sub3A_156, %shift_right_arithmetic3A_155 : vector<16xi32>
        %bitcast_convert_type3A_158 = tpu.bitcast %sub3A_157 : vector<16xi32> -> vector<16xf32>
        %mul3A_159 = arith.constant 5.000000e-01 : f32
        %mul3A_160 = vector.broadcast %mul3A_159 : f32 to vector<16xf32>
        %mul3A_161 = arith.mulf %mul3A_160, %add3A_153 : vector<16xf32>
        %mul3A_162 = arith.mulf %mul3A_161, %bitcast_convert_type3A_158 : vector<16xf32>
        %mul3A_163 = arith.mulf %mul3A_162, %bitcast_convert_type3A_158 : vector<16xf32>
        %sub3A_164 = arith.constant 1.500000e+00 : f32
        %sub3A_165 = vector.broadcast %sub3A_164 : f32 to vector<16xf32>
        %sub3A_166 = arith.subf %sub3A_165, %mul3A_163 : vector<16xf32>
        %mul3A_167 = arith.mulf %bitcast_convert_type3A_158, %sub3A_166 : vector<16xf32>
        %mul3A_168 = arith.constant 5.000000e-01 : f32
        %mul3A_169 = vector.broadcast %mul3A_168 : f32 to vector<16xf32>
        %mul3A_170 = arith.mulf %mul3A_169, %add3A_153 : vector<16xf32>
        %mul3A_171 = arith.mulf %mul3A_170, %mul3A_167 : vector<16xf32>
        %mul3A_172 = arith.mulf %mul3A_171, %mul3A_167 : vector<16xf32>
        %sub3A_173 = arith.constant 1.500000e+00 : f32
        %sub3A_174 = vector.broadcast %sub3A_173 : f32 to vector<16xf32>
        %sub3A_175 = arith.subf %sub3A_174, %mul3A_172 : vector<16xf32>
        %mul3A_176 = arith.mulf %mul3A_167, %sub3A_175 : vector<16xf32>
        %mul3A_177 = arith.constant 5.000000e-01 : f32
        %mul3A_178 = vector.broadcast %mul3A_177 : f32 to vector<16xf32>
        %mul3A_179 = arith.mulf %mul3A_178, %add3A_153 : vector<16xf32>
        %mul3A_180 = arith.mulf %mul3A_179, %mul3A_176 : vector<16xf32>
        %mul3A_181 = arith.mulf %mul3A_180, %mul3A_176 : vector<16xf32>
        %sub3A_182 = arith.constant 1.500000e+00 : f32
        %sub3A_183 = vector.broadcast %sub3A_182 : f32 to vector<16xf32>
        %sub3A_184 = arith.subf %sub3A_183, %mul3A_181 : vector<16xf32>
        %mul3A_185 = arith.mulf %mul3A_176, %sub3A_184 : vector<16xf32>
        %swap3A = arith.index_cast %scan3A_147 : i32 to index
        %swap3A_186 = arith.constant 0 : index
        %swap3A_187 = tpu.vector_load %arg13[%swap3A, %swap3A_186] {strides = array<i32>} : memref<64x16xf32, #tpu.memory_space<vmem>>, vector<1x16xf32>,
        %swap3A_188 = vector.shape_cast %swap3A_187 : vector<1x16xf32> to vector<16xf32>
        %swap3A_189 = vector.shape_cast %mul3A_185 : vector<16xf32> to vector<1x16xf32>
        tpu.vector_store %arg13[%swap3A, %swap3A_186], %swap3A_189 {strides = array<i32>} : memref<64x16xf32, #tpu.memory_space<vmem>>, vector<1x16xf32>,
      }
      %scan3A_146 = arith.constant 64 : i32
      "tpu.region"() ({
        %run_scoped3A_147 = tpu.sem_alloc : memref<!tpu.dma_semaphore, #tpu.memory_space<semaphore_mem>>
        %dma_start3A_148 = arith.constant 0 : i32
        %dma_start3A_149 = tpu.memref_slice %arg17[%add3A, %dma_start3A_148] : memref<10240x16xf32, #tpu.memory_space<vmem_shared>> -> memref<64x16xf32, #tpu.memory_space<vmem_shared>>
        %dma_start3A_150 = arith.constant 0 : i32
        %dma_start3A_151 = tpu.memref_slice %arg17[%add3A, %dma_start3A_150] : memref<10240x16xf32, #tpu.memory_space<vmem_shared>> -> memref<64x16xf32, #tpu.memory_space<vmem_shared>>
        tpu.enqueue_dma source(%arg13 : memref<64x16xf32, #tpu.memory_space<vmem>>) target(%dma_start3A_151 : memref<64x16xf32, #tpu.memory_space<vmem_shared>>) target_semaphore(%run_scoped3A_147 : memref<!tpu.dma_semaphore, #tpu.memory_space<semaphore_mem>>)
        %dma_wait3A_152 = arith.constant 0 : i32
        %dma_wait3A_153 = tpu.memref_slice %arg17[%add3A, %dma_wait3A_152] : memref<10240x16xf32, #tpu.memory_space<vmem_shared>> -> memref<64x16xf32, #tpu.memory_space<vmem_shared>>
        %dma_wait3A_154 = arith.constant 0 : i32
        %dma_wait3A_155 = tpu.memref_slice %arg17[%add3A, %dma_wait3A_154] : memref<10240x16xf32, #tpu.memory_space<vmem_shared>> -> memref<64x16xf32, #tpu.memory_space<vmem_shared>>
        tpu.wait_dma2 semaphore(%run_scoped3A_147 : memref<!tpu.dma_semaphore, #tpu.memory_space<semaphore_mem>>) src(%arg13 : memref<64x16xf32, #tpu.memory_space<vmem>>) dst(%dma_wait3A_155 : memref<64x16xf32, #tpu.memory_space<vmem_shared>>)
        tpu.yield
      }) : () -> ()
    }
    %scan3A_35 = arith.constant 10 : i32
    %scan3A_36 = arith.constant 0 : i32
    %scan3A_37 = arith.constant 0 : i32
    %scan3A_38 = arith.constant 10 : i32
    %scan3A_39 = arith.addi %scan3A_37, %scan3A_38 : i32
    %scan3A_40 = arith.constant 1 : i32
    scf.for %scan3A_138 = %scan3A_37 to %scan3A_39 step %scan3A_40  : i32 {
      %mul3A_139 = arith.constant 64 : i32
      %mul3A_140 = arith.muli %scan3A_138, %mul3A_139 : i32
      %add3A = arith.addi %mul3A_0, %mul3A_140 : i32
      "tpu.region"() ({
        %run_scoped3A_147 = tpu.sem_alloc : memref<!tpu.dma_semaphore, #tpu.memory_space<semaphore_mem>>
        %dma_start3A_148 = arith.constant 0 : i32
        %dma_start3A_149 = tpu.memref_slice %arg15[%add3A, %dma_start3A_148] : memref<10240x64xf32, #tpu.memory_space<vmem_shared>> -> memref<64x64xf32, #tpu.memory_space<vmem_shared>>
        %dma_start3A_150 = arith.constant 0 : i32
        %dma_start3A_151 = tpu.memref_slice %arg15[%add3A, %dma_start3A_150] : memref<10240x64xf32, #tpu.memory_space<vmem_shared>> -> memref<64x64xf32, #tpu.memory_space<vmem_shared>>
        tpu.enqueue_dma source(%dma_start3A_151 : memref<64x64xf32, #tpu.memory_space<vmem_shared>>) target(%arg12 : memref<64x64xf32, #tpu.memory_space<vmem>>) target_semaphore(%run_scoped3A_147 : memref<!tpu.dma_semaphore, #tpu.memory_space<semaphore_mem>>)
        %dma_wait3A_152 = arith.constant 0 : i32
        %dma_wait3A_153 = tpu.memref_slice %arg15[%add3A, %dma_wait3A_152] : memref<10240x64xf32, #tpu.memory_space<vmem_shared>> -> memref<64x64xf32, #tpu.memory_space<vmem_shared>>
        %dma_wait3A_154 = arith.constant 0 : i32
        %dma_wait3A_155 = tpu.memref_slice %arg15[%add3A, %dma_wait3A_154] : memref<10240x64xf32, #tpu.memory_space<vmem_shared>> -> memref<64x64xf32, #tpu.memory_space<vmem_shared>>
        tpu.wait_dma2 semaphore(%run_scoped3A_147 : memref<!tpu.dma_semaphore, #tpu.memory_space<semaphore_mem>>) src(%dma_wait3A_155 : memref<64x64xf32, #tpu.memory_space<vmem_shared>>) dst(%arg12 : memref<64x64xf32, #tpu.memory_space<vmem>>)
        tpu.yield
      }) : () -> ()
      "tpu.region"() ({
        %run_scoped3A_147 = tpu.sem_alloc : memref<!tpu.dma_semaphore, #tpu.memory_space<semaphore_mem>>
        %dma_start3A_148 = arith.constant 0 : i32
        %dma_start3A_149 = tpu.memref_slice %arg17[%add3A, %dma_start3A_148] : memref<10240x16xf32, #tpu.memory_space<vmem_shared>> -> memref<64x16xf32, #tpu.memory_space<vmem_shared>>
        %dma_start3A_150 = arith.constant 0 : i32
        %dma_start3A_151 = tpu.memref_slice %arg17[%add3A, %dma_start3A_150] : memref<10240x16xf32, #tpu.memory_space<vmem_shared>> -> memref<64x16xf32, #tpu.memory_space<vmem_shared>>
        tpu.enqueue_dma source(%dma_start3A_151 : memref<64x16xf32, #tpu.memory_space<vmem_shared>>) target(%arg13 : memref<64x16xf32, #tpu.memory_space<vmem>>) target_semaphore(%run_scoped3A_147 : memref<!tpu.dma_semaphore, #tpu.memory_space<semaphore_mem>>)
        %dma_wait3A_152 = arith.constant 0 : i32
        %dma_wait3A_153 = tpu.memref_slice %arg17[%add3A, %dma_wait3A_152] : memref<10240x16xf32, #tpu.memory_space<vmem_shared>> -> memref<64x16xf32, #tpu.memory_space<vmem_shared>>
        %dma_wait3A_154 = arith.constant 0 : i32
        %dma_wait3A_155 = tpu.memref_slice %arg17[%add3A, %dma_wait3A_154] : memref<10240x16xf32, #tpu.memory_space<vmem_shared>> -> memref<64x16xf32, #tpu.memory_space<vmem_shared>>
        tpu.wait_dma2 semaphore(%run_scoped3A_147 : memref<!tpu.dma_semaphore, #tpu.memory_space<semaphore_mem>>) src(%dma_wait3A_155 : memref<64x16xf32, #tpu.memory_space<vmem_shared>>) dst(%arg13 : memref<64x16xf32, #tpu.memory_space<vmem>>)
        tpu.yield
      }) : () -> ()
      %scan3A_141 = arith.constant 0 : i32
      %scan3A_142 = arith.constant 0 : i32
      %scan3A_143 = arith.constant 64 : i32
      %scan3A_144 = arith.addi %scan3A_142, %scan3A_143 : i32
      %scan3A_145 = arith.constant 1 : i32
      scf.for %scan3A_147 = %scan3A_142 to %scan3A_144 step %scan3A_145  : i32 {
        %get3A = arith.index_cast %scan3A_147 : i32 to index
        %get3A_148 = arith.constant 0 : index
        %get3A_149 = tpu.vector_load %arg13[%get3A, %get3A_148] {strides = array<i32>} : memref<64x16xf32, #tpu.memory_space<vmem>>, vector<1x16xf32>,
        %get3A_150 = vector.shape_cast %get3A_149 : vector<1x16xf32> to vector<16xf32>
        %get3A_151 = arith.index_cast %scan3A_147 : i32 to index
        %get3A_152 = arith.constant 0 : index
        %get3A_153 = tpu.vector_load %arg12[%get3A_151, %get3A_152] {strides = array<i32>} : memref<64x64xf32, #tpu.memory_space<vmem>>, vector<1x16xf32>,
        %get3A_154 = vector.shape_cast %get3A_153 : vector<1x16xf32> to vector<16xf32>
        %mul3A_155 = arith.mulf %get3A_154, %get3A_150 : vector<16xf32>
        %swap3A = arith.index_cast %scan3A_147 : i32 to index
        %swap3A_156 = arith.constant 0 : index
        %swap3A_157 = tpu.vector_load %arg12[%swap3A, %swap3A_156] {strides = array<i32>} : memref<64x64xf32, #tpu.memory_space<vmem>>, vector<1x16xf32>,
        %swap3A_158 = vector.shape_cast %swap3A_157 : vector<1x16xf32> to vector<16xf32>
        %swap3A_159 = vector.shape_cast %mul3A_155 : vector<16xf32> to vector<1x16xf32>
        tpu.vector_store %arg12[%swap3A, %swap3A_156], %swap3A_159 {strides = array<i32>} : memref<64x64xf32, #tpu.memory_space<vmem>>, vector<1x16xf32>,
        %get3A_160 = arith.index_cast %scan3A_147 : i32 to index
        %get3A_161 = arith.constant 16 : index
        %get3A_162 = tpu.vector_load %arg12[%get3A_160, %get3A_161] {strides = array<i32>} : memref<64x64xf32, #tpu.memory_space<vmem>>, vector<1x16xf32>,
        %get3A_163 = vector.shape_cast %get3A_162 : vector<1x16xf32> to vector<16xf32>
        %mul3A_164 = arith.mulf %get3A_163, %get3A_150 : vector<16xf32>
        %swap3A_165 = arith.index_cast %scan3A_147 : i32 to index
        %swap3A_166 = arith.constant 16 : index
        %swap3A_167 = tpu.vector_load %arg12[%swap3A_165, %swap3A_166] {strides = array<i32>} : memref<64x64xf32, #tpu.memory_space<vmem>>, vector<1x16xf32>,
        %swap3A_168 = vector.shape_cast %swap3A_167 : vector<1x16xf32> to vector<16xf32>
        %swap3A_169 = vector.shape_cast %mul3A_164 : vector<16xf32> to vector<1x16xf32>
        tpu.vector_store %arg12[%swap3A_165, %swap3A_166], %swap3A_169 {strides = array<i32>} : memref<64x64xf32, #tpu.memory_space<vmem>>, vector<1x16xf32>,
        %get3A_170 = arith.index_cast %scan3A_147 : i32 to index
        %get3A_171 = arith.constant 32 : index
        %get3A_172 = tpu.vector_load %arg12[%get3A_170, %get3A_171] {strides = array<i32>} : memref<64x64xf32, #tpu.memory_space<vmem>>, vector<1x16xf32>,
        %get3A_173 = vector.shape_cast %get3A_172 : vector<1x16xf32> to vector<16xf32>
        %mul3A_174 = arith.mulf %get3A_173, %get3A_150 : vector<16xf32>
        %swap3A_175 = arith.index_cast %scan3A_147 : i32 to index
        %swap3A_176 = arith.constant 32 : index
        %swap3A_177 = tpu.vector_load %arg12[%swap3A_175, %swap3A_176] {strides = array<i32>} : memref<64x64xf32, #tpu.memory_space<vmem>>, vector<1x16xf32>,
        %swap3A_178 = vector.shape_cast %swap3A_177 : vector<1x16xf32> to vector<16xf32>
        %swap3A_179 = vector.shape_cast %mul3A_174 : vector<16xf32> to vector<1x16xf32>
        tpu.vector_store %arg12[%swap3A_175, %swap3A_176], %swap3A_179 {strides = array<i32>} : memref<64x64xf32, #tpu.memory_space<vmem>>, vector<1x16xf32>,
        %get3A_180 = arith.index_cast %scan3A_147 : i32 to index
        %get3A_181 = arith.constant 48 : index
        %get3A_182 = tpu.vector_load %arg12[%get3A_180, %get3A_181] {strides = array<i32>} : memref<64x64xf32, #tpu.memory_space<vmem>>, vector<1x16xf32>,
        %get3A_183 = vector.shape_cast %get3A_182 : vector<1x16xf32> to vector<16xf32>
        %mul3A_184 = arith.mulf %get3A_183, %get3A_150 : vector<16xf32>
        %swap3A_185 = arith.index_cast %scan3A_147 : i32 to index
        %swap3A_186 = arith.constant 48 : index
        %swap3A_187 = tpu.vector_load %arg12[%swap3A_185, %swap3A_186] {strides = array<i32>} : memref<64x64xf32, #tpu.memory_space<vmem>>, vector<1x16xf32>,
        %swap3A_188 = vector.shape_cast %swap3A_187 : vector<1x16xf32> to vector<16xf32>
        %swap3A_189 = vector.shape_cast %mul3A_184 : vector<16xf32> to vector<1x16xf32>
        tpu.vector_store %arg12[%swap3A_185, %swap3A_186], %swap3A_189 {strides = array<i32>} : memref<64x64xf32, #tpu.memory_space<vmem>>, vector<1x16xf32>,
      }
      %scan3A_146 = arith.constant 64 : i32
      "tpu.region"() ({
        %run_scoped3A_147 = tpu.sem_alloc : memref<!tpu.dma_semaphore, #tpu.memory_space<semaphore_mem>>
        %dma_start3A_148 = arith.constant 0 : i32
        %dma_start3A_149 = tpu.memref_slice %arg15[%add3A, %dma_start3A_148] : memref<10240x64xf32, #tpu.memory_space<vmem_shared>> -> memref<64x64xf32, #tpu.memory_space<vmem_shared>>
        %dma_start3A_150 = arith.constant 0 : i32
        %dma_start3A_151 = tpu.memref_slice %arg15[%add3A, %dma_start3A_150] : memref<10240x64xf32, #tpu.memory_space<vmem_shared>> -> memref<64x64xf32, #tpu.memory_space<vmem_shared>>
        tpu.enqueue_dma source(%arg12 : memref<64x64xf32, #tpu.memory_space<vmem>>) target(%dma_start3A_151 : memref<64x64xf32, #tpu.memory_space<vmem_shared>>) target_semaphore(%run_scoped3A_147 : memref<!tpu.dma_semaphore, #tpu.memory_space<semaphore_mem>>)
        %dma_wait3A_152 = arith.constant 0 : i32
        %dma_wait3A_153 = tpu.memref_slice %arg15[%add3A, %dma_wait3A_152] : memref<10240x64xf32, #tpu.memory_space<vmem_shared>> -> memref<64x64xf32, #tpu.memory_space<vmem_shared>>
        %dma_wait3A_154 = arith.constant 0 : i32
        %dma_wait3A_155 = tpu.memref_slice %arg15[%add3A, %dma_wait3A_154] : memref<10240x64xf32, #tpu.memory_space<vmem_shared>> -> memref<64x64xf32, #tpu.memory_space<vmem_shared>>
        tpu.wait_dma2 semaphore(%run_scoped3A_147 : memref<!tpu.dma_semaphore, #tpu.memory_space<semaphore_mem>>) src(%arg12 : memref<64x64xf32, #tpu.memory_space<vmem>>) dst(%dma_wait3A_155 : memref<64x64xf32, #tpu.memory_space<vmem_shared>>)
        tpu.yield
      }) : () -> ()
      "tpu.region"() ({
        %run_scoped3A_147 = tpu.sem_alloc : memref<!tpu.dma_semaphore, #tpu.memory_space<semaphore_mem>>
        %dma_start3A_148 = arith.constant 0 : i32
        %dma_start3A_149 = tpu.memref_slice %arg16[%add3A, %dma_start3A_148] : memref<10240x64xf32, #tpu.memory_space<vmem_shared>> -> memref<64x64xf32, #tpu.memory_space<vmem_shared>>
        %dma_start3A_150 = arith.constant 0 : i32
        %dma_start3A_151 = tpu.memref_slice %arg16[%add3A, %dma_start3A_150] : memref<10240x64xf32, #tpu.memory_space<vmem_shared>> -> memref<64x64xf32, #tpu.memory_space<vmem_shared>>
        tpu.enqueue_dma source(%arg12 : memref<64x64xf32, #tpu.memory_space<vmem>>) target(%dma_start3A_151 : memref<64x64xf32, #tpu.memory_space<vmem_shared>>) target_semaphore(%run_scoped3A_147 : memref<!tpu.dma_semaphore, #tpu.memory_space<semaphore_mem>>)
        %dma_wait3A_152 = arith.constant 0 : i32
        %dma_wait3A_153 = tpu.memref_slice %arg16[%add3A, %dma_wait3A_152] : memref<10240x64xf32, #tpu.memory_space<vmem_shared>> -> memref<64x64xf32, #tpu.memory_space<vmem_shared>>
        %dma_wait3A_154 = arith.constant 0 : i32
        %dma_wait3A_155 = tpu.memref_slice %arg16[%add3A, %dma_wait3A_154] : memref<10240x64xf32, #tpu.memory_space<vmem_shared>> -> memref<64x64xf32, #tpu.memory_space<vmem_shared>>
        tpu.wait_dma2 semaphore(%run_scoped3A_147 : memref<!tpu.dma_semaphore, #tpu.memory_space<semaphore_mem>>) src(%arg12 : memref<64x64xf32, #tpu.memory_space<vmem>>) dst(%dma_wait3A_155 : memref<64x64xf32, #tpu.memory_space<vmem_shared>>)
        tpu.yield
      }) : () -> ()
    }
    %scan3A_41 = arith.constant 10 : i32
    %barrier3A_42 = arith.constant 0 : index
    tpu.barrier barrier_id(%barrier3A_42)
    %run_scoped3A_43 = arith.constant 0 : i32
    "tpu.region"() ({
      %run_scoped3A_138 = tpu.sem_alloc : memref<!tpu.dma_semaphore, #tpu.memory_space<semaphore_mem>>
      %dma_start3A_139 = arith.constant 0 : i32
      %dma_start3A_140 = arith.constant 0 : i32
      %dma_start3A_141 = tpu.memref_slice %arg7[%run_scoped3A_43, %dma_start3A_139, %dma_start3A_140] : memref<2x9x128xi32, #tpu.memory_space<vmem>> -> memref<1x9x128xi32, #tpu.memory_space<vmem>>
      %dma_start3A_142 = tpu.memref_squeeze %dma_start3A_141 : memref<1x9x128xi32, #tpu.memory_space<vmem>> -> memref<9x128xi32, #tpu.memory_space<vmem>>
      %dma_start3A_143 = arith.constant 0 : i32
      %dma_start3A_144 = arith.constant 0 : i32
      %dma_start3A_145 = tpu.memref_slice %arg3[%arg1, %dma_start3A_143, %dma_start3A_144] : memref<16x162x128xi32, #tpu.memory_space<hbm>> -> memref<1x9x128xi32, #tpu.memory_space<hbm>>
      %dma_start3A_146 = tpu.memref_squeeze %dma_start3A_145 : memref<1x9x128xi32, #tpu.memory_space<hbm>> -> memref<9x128xi32, #tpu.memory_space<hbm>>
      %dma_start3A_147 = arith.constant 0 : i32
      %dma_start3A_148 = arith.constant 0 : i32
      %dma_start3A_149 = tpu.memref_slice %arg7[%run_scoped3A_43, %dma_start3A_147, %dma_start3A_148] : memref<2x9x128xi32, #tpu.memory_space<vmem>> -> memref<1x9x128xi32, #tpu.memory_space<vmem>>
      %dma_start3A_150 = tpu.memref_squeeze %dma_start3A_149 : memref<1x9x128xi32, #tpu.memory_space<vmem>> -> memref<9x128xi32, #tpu.memory_space<vmem>>
      %dma_start3A_151 = arith.constant 0 : i32
      %dma_start3A_152 = arith.constant 0 : i32
      %dma_start3A_153 = tpu.memref_slice %arg3[%arg1, %dma_start3A_151, %dma_start3A_152] : memref<16x162x128xi32, #tpu.memory_space<hbm>> -> memref<1x9x128xi32, #tpu.memory_space<hbm>>
      %dma_start3A_154 = tpu.memref_squeeze %dma_start3A_153 : memref<1x9x128xi32, #tpu.memory_space<hbm>> -> memref<9x128xi32, #tpu.memory_space<hbm>>
      tpu.enqueue_dma source(%dma_start3A_154 : memref<9x128xi32, #tpu.memory_space<hbm>>) target(%dma_start3A_150 : memref<9x128xi32, #tpu.memory_space<vmem>>) target_semaphore(%run_scoped3A_138 : memref<!tpu.dma_semaphore, #tpu.memory_space<semaphore_mem>>)
      %dma_wait3A_155 = arith.constant 0 : i32
      %dma_wait3A_156 = arith.constant 0 : i32
      %dma_wait3A_157 = tpu.memref_slice %arg7[%run_scoped3A_43, %dma_wait3A_155, %dma_wait3A_156] : memref<2x9x128xi32, #tpu.memory_space<vmem>> -> memref<1x9x128xi32, #tpu.memory_space<vmem>>
      %dma_wait3A_158 = tpu.memref_squeeze %dma_wait3A_157 : memref<1x9x128xi32, #tpu.memory_space<vmem>> -> memref<9x128xi32, #tpu.memory_space<vmem>>
      %dma_wait3A_159 = arith.constant 0 : i32
      %dma_wait3A_160 = arith.constant 0 : i32
      %dma_wait3A_161 = tpu.memref_slice %arg3[%arg1, %dma_wait3A_159, %dma_wait3A_160] : memref<16x162x128xi32, #tpu.memory_space<hbm>> -> memref<1x9x128xi32, #tpu.memory_space<hbm>>
      %dma_wait3A_162 = tpu.memref_squeeze %dma_wait3A_161 : memref<1x9x128xi32, #tpu.memory_space<hbm>> -> memref<9x128xi32, #tpu.memory_space<hbm>>
      %dma_wait3A_163 = arith.constant 0 : i32
      %dma_wait3A_164 = arith.constant 0 : i32
      %dma_wait3A_165 = tpu.memref_slice %arg7[%run_scoped3A_43, %dma_wait3A_163, %dma_wait3A_164] : memref<2x9x128xi32, #tpu.memory_space<vmem>> -> memref<1x9x128xi32, #tpu.memory_space<vmem>>
      %dma_wait3A_166 = tpu.memref_squeeze %dma_wait3A_165 : memref<1x9x128xi32, #tpu.memory_space<vmem>> -> memref<9x128xi32, #tpu.memory_space<vmem>>
      %dma_wait3A_167 = arith.constant 0 : i32
      %dma_wait3A_168 = arith.constant 0 : i32
      %dma_wait3A_169 = tpu.memref_slice %arg3[%arg1, %dma_wait3A_167, %dma_wait3A_168] : memref<16x162x128xi32, #tpu.memory_space<hbm>> -> memref<1x9x128xi32, #tpu.memory_space<hbm>>
      %dma_wait3A_170 = tpu.memref_squeeze %dma_wait3A_169 : memref<1x9x128xi32, #tpu.memory_space<hbm>> -> memref<9x128xi32, #tpu.memory_space<hbm>>
      tpu.wait_dma2 semaphore(%run_scoped3A_138 : memref<!tpu.dma_semaphore, #tpu.memory_space<semaphore_mem>>) src(%dma_wait3A_170 : memref<9x128xi32, #tpu.memory_space<hbm>>) dst(%dma_wait3A_166 : memref<9x128xi32, #tpu.memory_space<vmem>>)
      tpu.yield
    }) : () -> ()
    %run_scoped3A_44 = arith.constant 0 : i32
    "tpu.region"() ({
      %run_scoped3A_138 = tpu.sem_alloc : memref<!tpu.dma_semaphore, #tpu.memory_space<semaphore_mem>>
      %dma_start3A_139 = arith.constant 0 : i32
      %dma_start3A_140 = arith.constant 0 : i32
      %dma_start3A_141 = tpu.memref_slice %arg8[%run_scoped3A_44, %dma_start3A_139, %dma_start3A_140] : memref<2x9x128xi32, #tpu.memory_space<vmem>> -> memref<1x9x128xi32, #tpu.memory_space<vmem>>
      %dma_start3A_142 = tpu.memref_squeeze %dma_start3A_141 : memref<1x9x128xi32, #tpu.memory_space<vmem>> -> memref<9x128xi32, #tpu.memory_space<vmem>>
      %dma_start3A_143 = arith.constant 0 : i32
      %dma_start3A_144 = arith.constant 0 : i32
      %dma_start3A_145 = tpu.memref_slice %arg4[%arg1, %dma_start3A_143, %dma_start3A_144] : memref<16x162x128xi32, #tpu.memory_space<hbm>> -> memref<1x9x128xi32, #tpu.memory_space<hbm>>
      %dma_start3A_146 = tpu.memref_squeeze %dma_start3A_145 : memref<1x9x128xi32, #tpu.memory_space<hbm>> -> memref<9x128xi32, #tpu.memory_space<hbm>>
      %dma_start3A_147 = arith.constant 0 : i32
      %dma_start3A_148 = arith.constant 0 : i32
      %dma_start3A_149 = tpu.memref_slice %arg8[%run_scoped3A_44, %dma_start3A_147, %dma_start3A_148] : memref<2x9x128xi32, #tpu.memory_space<vmem>> -> memref<1x9x128xi32, #tpu.memory_space<vmem>>
      %dma_start3A_150 = tpu.memref_squeeze %dma_start3A_149 : memref<1x9x128xi32, #tpu.memory_space<vmem>> -> memref<9x128xi32, #tpu.memory_space<vmem>>
      %dma_start3A_151 = arith.constant 0 : i32
      %dma_start3A_152 = arith.constant 0 : i32
      %dma_start3A_153 = tpu.memref_slice %arg4[%arg1, %dma_start3A_151, %dma_start3A_152] : memref<16x162x128xi32, #tpu.memory_space<hbm>> -> memref<1x9x128xi32, #tpu.memory_space<hbm>>
      %dma_start3A_154 = tpu.memref_squeeze %dma_start3A_153 : memref<1x9x128xi32, #tpu.memory_space<hbm>> -> memref<9x128xi32, #tpu.memory_space<hbm>>
      tpu.enqueue_dma source(%dma_start3A_154 : memref<9x128xi32, #tpu.memory_space<hbm>>) target(%dma_start3A_150 : memref<9x128xi32, #tpu.memory_space<vmem>>) target_semaphore(%run_scoped3A_138 : memref<!tpu.dma_semaphore, #tpu.memory_space<semaphore_mem>>)
      %dma_wait3A_155 = arith.constant 0 : i32
      %dma_wait3A_156 = arith.constant 0 : i32
      %dma_wait3A_157 = tpu.memref_slice %arg8[%run_scoped3A_44, %dma_wait3A_155, %dma_wait3A_156] : memref<2x9x128xi32, #tpu.memory_space<vmem>> -> memref<1x9x128xi32, #tpu.memory_space<vmem>>
      %dma_wait3A_158 = tpu.memref_squeeze %dma_wait3A_157 : memref<1x9x128xi32, #tpu.memory_space<vmem>> -> memref<9x128xi32, #tpu.memory_space<vmem>>
      %dma_wait3A_159 = arith.constant 0 : i32
      %dma_wait3A_160 = arith.constant 0 : i32
      %dma_wait3A_161 = tpu.memref_slice %arg4[%arg1, %dma_wait3A_159, %dma_wait3A_160] : memref<16x162x128xi32, #tpu.memory_space<hbm>> -> memref<1x9x128xi32, #tpu.memory_space<hbm>>
      %dma_wait3A_162 = tpu.memref_squeeze %dma_wait3A_161 : memref<1x9x128xi32, #tpu.memory_space<hbm>> -> memref<9x128xi32, #tpu.memory_space<hbm>>
      %dma_wait3A_163 = arith.constant 0 : i32
      %dma_wait3A_164 = arith.constant 0 : i32
      %dma_wait3A_165 = tpu.memref_slice %arg8[%run_scoped3A_44, %dma_wait3A_163, %dma_wait3A_164] : memref<2x9x128xi32, #tpu.memory_space<vmem>> -> memref<1x9x128xi32, #tpu.memory_space<vmem>>
      %dma_wait3A_166 = tpu.memref_squeeze %dma_wait3A_165 : memref<1x9x128xi32, #tpu.memory_space<vmem>> -> memref<9x128xi32, #tpu.memory_space<vmem>>
      %dma_wait3A_167 = arith.constant 0 : i32
      %dma_wait3A_168 = arith.constant 0 : i32
      %dma_wait3A_169 = tpu.memref_slice %arg4[%arg1, %dma_wait3A_167, %dma_wait3A_168] : memref<16x162x128xi32, #tpu.memory_space<hbm>> -> memref<1x9x128xi32, #tpu.memory_space<hbm>>
      %dma_wait3A_170 = tpu.memref_squeeze %dma_wait3A_169 : memref<1x9x128xi32, #tpu.memory_space<hbm>> -> memref<9x128xi32, #tpu.memory_space<hbm>>
      tpu.wait_dma2 semaphore(%run_scoped3A_138 : memref<!tpu.dma_semaphore, #tpu.memory_space<semaphore_mem>>) src(%dma_wait3A_170 : memref<9x128xi32, #tpu.memory_space<hbm>>) dst(%dma_wait3A_166 : memref<9x128xi32, #tpu.memory_space<vmem>>)
      tpu.yield
    }) : () -> ()
    %div3A = arith.constant 0 : i32
    %div3A_45 = arith.constant 9 : i32
    %div3A_46 = arith.divsi %div3A, %div3A_45 : i32
    %rem3A = arith.constant 2 : i32
    %rem3A_47 = arith.remsi %div3A_46, %rem3A : i32
    %rem3A_48 = arith.constant 0 : i32
    %rem3A_49 = arith.constant 9 : i32
    %rem3A_50 = arith.remsi %rem3A_48, %rem3A_49 : i32
    %dma_start3A = arith.constant 0 : i32
    %dma_start3A_51 = tpu.memref_slice %arg7[%rem3A_47, %rem3A_50, %dma_start3A] : memref<2x9x128xi32, #tpu.memory_space<vmem>> -> memref<1x1x128xi32, #tpu.memory_space<vmem>>
    %dma_start3A_52 = tpu.memref_squeeze %dma_start3A_51 : memref<1x1x128xi32, #tpu.memory_space<vmem>> -> memref<128xi32, #tpu.memory_space<vmem>>
    %dma_start3A_53 = arith.constant 0 : i32
    %dma_start3A_54 = arith.constant 0 : i32
    %dma_start3A_55 = tpu.memref_slice %arg15[%dma_start3A_53, %dma_start3A_54] : memref<10240x64xf32, #tpu.memory_space<vmem_shared>> -> memref<10240x64xf32, #tpu.memory_space<vmem_shared>>
    tpu.enqueue_indirect_dma source(%dma_start3A_55 : memref<10240x64xf32, #tpu.memory_space<vmem_shared>>) target(%arg9 : memref<128x64xf32, #tpu.memory_space<vmem>>) offsets(%dma_start3A_52 : memref<128xi32, #tpu.memory_space<vmem>>) semaphore(%arg18 : memref<!tpu.dma_semaphore, #tpu.memory_space<semaphore_mem>>)
    %div3A_56 = arith.constant 1 : i32
    %div3A_57 = arith.constant 9 : i32
    %div3A_58 = arith.divsi %div3A_56, %div3A_57 : i32
    %rem3A_59 = arith.constant 2 : i32
    %rem3A_60 = arith.remsi %div3A_58, %rem3A_59 : i32
    %rem3A_61 = arith.constant 1 : i32
    %rem3A_62 = arith.constant 9 : i32
    %rem3A_63 = arith.remsi %rem3A_61, %rem3A_62 : i32
    %dma_start3A_64 = arith.constant 0 : i32
    %dma_start3A_65 = tpu.memref_slice %arg7[%rem3A_60, %rem3A_63, %dma_start3A_64] : memref<2x9x128xi32, #tpu.memory_space<vmem>> -> memref<1x1x128xi32, #tpu.memory_space<vmem>>
    %dma_start3A_66 = tpu.memref_squeeze %dma_start3A_65 : memref<1x1x128xi32, #tpu.memory_space<vmem>> -> memref<128xi32, #tpu.memory_space<vmem>>
    %dma_start3A_67 = arith.constant 0 : i32
    %dma_start3A_68 = arith.constant 0 : i32
    %dma_start3A_69 = tpu.memref_slice %arg15[%dma_start3A_67, %dma_start3A_68] : memref<10240x64xf32, #tpu.memory_space<vmem_shared>> -> memref<10240x64xf32, #tpu.memory_space<vmem_shared>>
    tpu.enqueue_indirect_dma source(%dma_start3A_69 : memref<10240x64xf32, #tpu.memory_space<vmem_shared>>) target(%arg10 : memref<128x64xf32, #tpu.memory_space<vmem>>) offsets(%dma_start3A_66 : memref<128xi32, #tpu.memory_space<vmem>>) semaphore(%arg18 : memref<!tpu.dma_semaphore, #tpu.memory_space<semaphore_mem>>)
    %scan3A_70 = arith.constant 0 : i32
    %scan3A_71 = arith.constant 0 : i32
    %scan3A_72 = arith.constant 54 : i32
    %scan3A_73 = arith.addi %scan3A_71, %scan3A_72 : i32
    %scan3A_74 = arith.constant 1 : i32
    scf.for %scan3A_138 = %scan3A_71 to %scan3A_73 step %scan3A_74  : i32 {
      %mul3A_139 = arith.constant 3 : i32
      %mul3A_140 = arith.muli %mul3A_139, %scan3A_138 : i32
      %add3A = arith.constant 0 : i32
      %add3A_141 = arith.addi %mul3A_140, %add3A : i32
      %dma_wait3A_142 = arith.constant 0 : i32
      %dma_wait3A_143 = arith.constant 0 : i32
      %dma_wait3A_144 = arith.constant 0 : i32
      %dma_wait3A_145 = tpu.memref_slice %arg7[%dma_wait3A_142, %dma_wait3A_143, %dma_wait3A_144] : memref<2x9x128xi32, #tpu.memory_space<vmem>> -> memref<1x1x128xi32, #tpu.memory_space<vmem>>
      %dma_wait3A_146 = tpu.memref_squeeze %dma_wait3A_145 : memref<1x1x128xi32, #tpu.memory_space<vmem>> -> memref<128xi32, #tpu.memory_space<vmem>>
      %dma_wait3A_147 = arith.constant 0 : i32
      %dma_wait3A_148 = arith.constant 0 : i32
      %dma_wait3A_149 = tpu.memref_slice %arg15[%dma_wait3A_147, %dma_wait3A_148] : memref<10240x64xf32, #tpu.memory_space<vmem_shared>> -> memref<10240x64xf32, #tpu.memory_space<vmem_shared>>
      tpu.wait_indirect_dma semaphore(%arg18 : memref<!tpu.dma_semaphore, #tpu.memory_space<semaphore_mem>>) src(%dma_wait3A_149 : memref<10240x64xf32, #tpu.memory_space<vmem_shared>>) dst(%arg9 : memref<128x64xf32, #tpu.memory_space<vmem>>)
      %div3A_150 = arith.constant 9 : i32
      %div3A_151 = arith.divsi %add3A_141, %div3A_150 : i32
      %rem3A_152 = arith.constant 2 : i32
      %rem3A_153 = arith.remsi %div3A_151, %rem3A_152 : i32
      %rem3A_154 = arith.constant 9 : i32
      %rem3A_155 = arith.remsi %add3A_141, %rem3A_154 : i32
      %dma_start3A_156 = arith.constant 0 : i32
      %dma_start3A_157 = tpu.memref_slice %arg8[%rem3A_153, %rem3A_155, %dma_start3A_156] : memref<2x9x128xi32, #tpu.memory_space<vmem>> -> memref<1x1x128xi32, #tpu.memory_space<vmem>>
      %dma_start3A_158 = tpu.memref_squeeze %dma_start3A_157 : memref<1x1x128xi32, #tpu.memory_space<vmem>> -> memref<128xi32, #tpu.memory_space<vmem>>
      %dma_start3A_159 = arith.constant 0 : i32
      %dma_start3A_160 = arith.constant 0 : i32
      %dma_start3A_161 = tpu.memref_slice %arg16[%dma_start3A_159, %dma_start3A_160] : memref<10240x64xf32, #tpu.memory_space<vmem_shared>> -> memref<10240x64xf32, #tpu.memory_space<vmem_shared>>
      tpu.enqueue_indirect_dma source(%arg9 : memref<128x64xf32, #tpu.memory_space<vmem>>) target(%dma_start3A_161 : memref<10240x64xf32, #tpu.memory_space<vmem_shared>>) offsets(%dma_start3A_158 : memref<128xi32, #tpu.memory_space<vmem>>) semaphore(%arg19 : memref<!tpu.dma_semaphore, #tpu.memory_space<semaphore_mem>>) {add = true}
      %gt3A = arith.constant 0 : i32
      %gt3A_162 = arith.cmpi sgt, %scan3A_138, %gt3A : i32
      %convert_element_type3A_163 = arith.extui %gt3A_162 : i1 to i32
      %cond3A_164 = arith.constant 0 : i32
      %cond3A_165 = arith.cmpi ne, %convert_element_type3A_163, %cond3A_164 : i32
      scf.if %cond3A_165 {
        %dma_wait3A_286 = arith.constant 0 : i32
        %dma_wait3A_287 = arith.constant 0 : i32
        %dma_wait3A_288 = arith.constant 0 : i32
        %dma_wait3A_289 = tpu.memref_slice %arg8[%dma_wait3A_286, %dma_wait3A_287, %dma_wait3A_288] : memref<2x9x128xi32, #tpu.memory_space<vmem>> -> memref<1x1x128xi32, #tpu.memory_space<vmem>>
        %dma_wait3A_290 = tpu.memref_squeeze %dma_wait3A_289 : memref<1x1x128xi32, #tpu.memory_space<vmem>> -> memref<128xi32, #tpu.memory_space<vmem>>
        %dma_wait3A_291 = arith.constant 0 : i32
        %dma_wait3A_292 = arith.constant 0 : i32
        %dma_wait3A_293 = tpu.memref_slice %arg16[%dma_wait3A_291, %dma_wait3A_292] : memref<10240x64xf32, #tpu.memory_space<vmem_shared>> -> memref<10240x64xf32, #tpu.memory_space<vmem_shared>>
        tpu.wait_indirect_dma semaphore(%arg19 : memref<!tpu.dma_semaphore, #tpu.memory_space<semaphore_mem>>) src(%arg11 : memref<128x64xf32, #tpu.memory_space<vmem>>) dst(%dma_wait3A_293 : memref<10240x64xf32, #tpu.memory_space<vmem_shared>>)
      } else {
      }
      %div3A_166 = arith.constant 9 : i32
      %div3A_167 = arith.divsi %add3A_141, %div3A_166 : i32
      %add3A_168 = arith.constant 1 : i32
      %add3A_169 = arith.addi %div3A_167, %add3A_168 : i32
      %rem3A_170 = arith.constant 9 : i32
      %rem3A_171 = arith.remsi %add3A_141, %rem3A_170 : i32
      %eq3A_172 = arith.constant 0 : i32
      %eq3A_173 = arith.cmpi eq, %rem3A_171, %eq3A_172 : i32
      %lt3A = arith.constant 18 : i32
      %lt3A_174 = arith.cmpi slt, %add3A_169, %lt3A : i32
      %and3A = arith.andi %eq3A_173, %lt3A_174 : i1
      %convert_element_type3A_175 = arith.extui %and3A : i1 to i32
      %cond3A_176 = arith.constant 0 : i32
      %cond3A_177 = arith.cmpi ne, %convert_element_type3A_175, %cond3A_176 : i32
      scf.if %cond3A_177 {
        %rem3A_286 = arith.constant 2 : i32
        %rem3A_287 = arith.remsi %add3A_169, %rem3A_286 : i32
        %mul3A_288 = arith.constant 9 : i32
        %mul3A_289 = arith.muli %add3A_169, %mul3A_288 : i32
        %dma_start3A_290 = arith.constant 0 : i32
        %dma_start3A_291 = arith.constant 0 : i32
        %dma_start3A_292 = tpu.memref_slice %arg7[%rem3A_287, %dma_start3A_290, %dma_start3A_291] : memref<2x9x128xi32, #tpu.memory_space<vmem>> -> memref<1x9x128xi32, #tpu.memory_space<vmem>>
        %dma_start3A_293 = tpu.memref_squeeze %dma_start3A_292 : memref<1x9x128xi32, #tpu.memory_space<vmem>> -> memref<9x128xi32, #tpu.memory_space<vmem>>
        %dma_start3A_294 = arith.constant 0 : i32
        %dma_start3A_295 = tpu.memref_slice %arg3[%arg1, %mul3A_289, %dma_start3A_294] : memref<16x162x128xi32, #tpu.memory_space<hbm>> -> memref<1x9x128xi32, #tpu.memory_space<hbm>>
        %dma_start3A_296 = tpu.memref_squeeze %dma_start3A_295 : memref<1x9x128xi32, #tpu.memory_space<hbm>> -> memref<9x128xi32, #tpu.memory_space<hbm>>
        %dma_start3A_297 = arith.constant 0 : i32
        %dma_start3A_298 = arith.constant 0 : i32
        %dma_start3A_299 = tpu.memref_slice %arg7[%rem3A_287, %dma_start3A_297, %dma_start3A_298] : memref<2x9x128xi32, #tpu.memory_space<vmem>> -> memref<1x9x128xi32, #tpu.memory_space<vmem>>
        %dma_start3A_300 = tpu.memref_squeeze %dma_start3A_299 : memref<1x9x128xi32, #tpu.memory_space<vmem>> -> memref<9x128xi32, #tpu.memory_space<vmem>>
        %dma_start3A_301 = arith.constant 0 : i32
        %dma_start3A_302 = tpu.memref_slice %arg3[%arg1, %mul3A_289, %dma_start3A_301] : memref<16x162x128xi32, #tpu.memory_space<hbm>> -> memref<1x9x128xi32, #tpu.memory_space<hbm>>
        %dma_start3A_303 = tpu.memref_squeeze %dma_start3A_302 : memref<1x9x128xi32, #tpu.memory_space<hbm>> -> memref<9x128xi32, #tpu.memory_space<hbm>>
        tpu.enqueue_dma source(%dma_start3A_303 : memref<9x128xi32, #tpu.memory_space<hbm>>) target(%dma_start3A_300 : memref<9x128xi32, #tpu.memory_space<vmem>>) target_semaphore(%arg21 : memref<!tpu.dma_semaphore, #tpu.memory_space<semaphore_mem>>)
        %dma_start3A_304 = arith.constant 0 : i32
        %dma_start3A_305 = arith.constant 0 : i32
        %dma_start3A_306 = tpu.memref_slice %arg8[%rem3A_287, %dma_start3A_304, %dma_start3A_305] : memref<2x9x128xi32, #tpu.memory_space<vmem>> -> memref<1x9x128xi32, #tpu.memory_space<vmem>>
        %dma_start3A_307 = tpu.memref_squeeze %dma_start3A_306 : memref<1x9x128xi32, #tpu.memory_space<vmem>> -> memref<9x128xi32, #tpu.memory_space<vmem>>
        %dma_start3A_308 = arith.constant 0 : i32
        %dma_start3A_309 = tpu.memref_slice %arg4[%arg1, %mul3A_289, %dma_start3A_308] : memref<16x162x128xi32, #tpu.memory_space<hbm>> -> memref<1x9x128xi32, #tpu.memory_space<hbm>>
        %dma_start3A_310 = tpu.memref_squeeze %dma_start3A_309 : memref<1x9x128xi32, #tpu.memory_space<hbm>> -> memref<9x128xi32, #tpu.memory_space<hbm>>
        %dma_start3A_311 = arith.constant 0 : i32
        %dma_start3A_312 = arith.constant 0 : i32
        %dma_start3A_313 = tpu.memref_slice %arg8[%rem3A_287, %dma_start3A_311, %dma_start3A_312] : memref<2x9x128xi32, #tpu.memory_space<vmem>> -> memref<1x9x128xi32, #tpu.memory_space<vmem>>
        %dma_start3A_314 = tpu.memref_squeeze %dma_start3A_313 : memref<1x9x128xi32, #tpu.memory_space<vmem>> -> memref<9x128xi32, #tpu.memory_space<vmem>>
        %dma_start3A_315 = arith.constant 0 : i32
        %dma_start3A_316 = tpu.memref_slice %arg4[%arg1, %mul3A_289, %dma_start3A_315] : memref<16x162x128xi32, #tpu.memory_space<hbm>> -> memref<1x9x128xi32, #tpu.memory_space<hbm>>
        %dma_start3A_317 = tpu.memref_squeeze %dma_start3A_316 : memref<1x9x128xi32, #tpu.memory_space<hbm>> -> memref<9x128xi32, #tpu.memory_space<hbm>>
        tpu.enqueue_dma source(%dma_start3A_317 : memref<9x128xi32, #tpu.memory_space<hbm>>) target(%dma_start3A_314 : memref<9x128xi32, #tpu.memory_space<vmem>>) target_semaphore(%arg21 : memref<!tpu.dma_semaphore, #tpu.memory_space<semaphore_mem>>)
      } else {
      }
      %add3A_178 = arith.constant 2 : i32
      %add3A_179 = arith.addi %add3A_141, %add3A_178 : i32
      %div3A_180 = arith.constant 9 : i32
      %div3A_181 = arith.divsi %add3A_179, %div3A_180 : i32
      %rem3A_182 = arith.constant 2 : i32
      %rem3A_183 = arith.remsi %div3A_181, %rem3A_182 : i32
      %rem3A_184 = arith.constant 9 : i32
      %rem3A_185 = arith.remsi %add3A_179, %rem3A_184 : i32
      %dma_start3A_186 = arith.constant 0 : i32
      %dma_start3A_187 = tpu.memref_slice %arg7[%rem3A_183, %rem3A_185, %dma_start3A_186] : memref<2x9x128xi32, #tpu.memory_space<vmem>> -> memref<1x1x128xi32, #tpu.memory_space<vmem>>
      %dma_start3A_188 = tpu.memref_squeeze %dma_start3A_187 : memref<1x1x128xi32, #tpu.memory_space<vmem>> -> memref<128xi32, #tpu.memory_space<vmem>>
      %dma_start3A_189 = arith.constant 0 : i32
      %dma_start3A_190 = arith.constant 0 : i32
      %dma_start3A_191 = tpu.memref_slice %arg15[%dma_start3A_189, %dma_start3A_190] : memref<10240x64xf32, #tpu.memory_space<vmem_shared>> -> memref<10240x64xf32, #tpu.memory_space<vmem_shared>>
      tpu.enqueue_indirect_dma source(%dma_start3A_191 : memref<10240x64xf32, #tpu.memory_space<vmem_shared>>) target(%arg11 : memref<128x64xf32, #tpu.memory_space<vmem>>) offsets(%dma_start3A_188 : memref<128xi32, #tpu.memory_space<vmem>>) semaphore(%arg18 : memref<!tpu.dma_semaphore, #tpu.memory_space<semaphore_mem>>)
      %add3A_192 = arith.constant 1 : i32
      %add3A_193 = arith.addi %mul3A_140, %add3A_192 : i32
      %dma_wait3A_194 = arith.constant 0 : i32
      %dma_wait3A_195 = arith.constant 0 : i32
      %dma_wait3A_196 = arith.constant 0 : i32
      %dma_wait3A_197 = tpu.memref_slice %arg7[%dma_wait3A_194, %dma_wait3A_195, %dma_wait3A_196] : memref<2x9x128xi32, #tpu.memory_space<vmem>> -> memref<1x1x128xi32, #tpu.memory_space<vmem>>
      %dma_wait3A_198 = tpu.memref_squeeze %dma_wait3A_197 : memref<1x1x128xi32, #tpu.memory_space<vmem>> -> memref<128xi32, #tpu.memory_space<vmem>>
      %dma_wait3A_199 = arith.constant 0 : i32
      %dma_wait3A_200 = arith.constant 0 : i32
      %dma_wait3A_201 = tpu.memref_slice %arg15[%dma_wait3A_199, %dma_wait3A_200] : memref<10240x64xf32, #tpu.memory_space<vmem_shared>> -> memref<10240x64xf32, #tpu.memory_space<vmem_shared>>
      tpu.wait_indirect_dma semaphore(%arg18 : memref<!tpu.dma_semaphore, #tpu.memory_space<semaphore_mem>>) src(%dma_wait3A_201 : memref<10240x64xf32, #tpu.memory_space<vmem_shared>>) dst(%arg10 : memref<128x64xf32, #tpu.memory_space<vmem>>)
      %div3A_202 = arith.constant 9 : i32
      %div3A_203 = arith.divsi %add3A_193, %div3A_202 : i32
      %rem3A_204 = arith.constant 2 : i32
      %rem3A_205 = arith.remsi %div3A_203, %rem3A_204 : i32
      %rem3A_206 = arith.constant 9 : i32
      %rem3A_207 = arith.remsi %add3A_193, %rem3A_206 : i32
      %dma_start3A_208 = arith.constant 0 : i32
      %dma_start3A_209 = tpu.memref_slice %arg8[%rem3A_205, %rem3A_207, %dma_start3A_208] : memref<2x9x128xi32, #tpu.memory_space<vmem>> -> memref<1x1x128xi32, #tpu.memory_space<vmem>>
      %dma_start3A_210 = tpu.memref_squeeze %dma_start3A_209 : memref<1x1x128xi32, #tpu.memory_space<vmem>> -> memref<128xi32, #tpu.memory_space<vmem>>
      %dma_start3A_211 = arith.constant 0 : i32
      %dma_start3A_212 = arith.constant 0 : i32
      %dma_start3A_213 = tpu.memref_slice %arg16[%dma_start3A_211, %dma_start3A_212] : memref<10240x64xf32, #tpu.memory_space<vmem_shared>> -> memref<10240x64xf32, #tpu.memory_space<vmem_shared>>
      tpu.enqueue_indirect_dma source(%arg10 : memref<128x64xf32, #tpu.memory_space<vmem>>) target(%dma_start3A_213 : memref<10240x64xf32, #tpu.memory_space<vmem_shared>>) offsets(%dma_start3A_210 : memref<128xi32, #tpu.memory_space<vmem>>) semaphore(%arg19 : memref<!tpu.dma_semaphore, #tpu.memory_space<semaphore_mem>>) {add = true}
      %dma_wait3A_214 = arith.constant 0 : i32
      %dma_wait3A_215 = arith.constant 0 : i32
      %dma_wait3A_216 = arith.constant 0 : i32
      %dma_wait3A_217 = tpu.memref_slice %arg8[%dma_wait3A_214, %dma_wait3A_215, %dma_wait3A_216] : memref<2x9x128xi32, #tpu.memory_space<vmem>> -> memref<1x1x128xi32, #tpu.memory_space<vmem>>
      %dma_wait3A_218 = tpu.memref_squeeze %dma_wait3A_217 : memref<1x1x128xi32, #tpu.memory_space<vmem>> -> memref<128xi32, #tpu.memory_space<vmem>>
      %dma_wait3A_219 = arith.constant 0 : i32
      %dma_wait3A_220 = arith.constant 0 : i32
      %dma_wait3A_221 = tpu.memref_slice %arg16[%dma_wait3A_219, %dma_wait3A_220] : memref<10240x64xf32, #tpu.memory_space<vmem_shared>> -> memref<10240x64xf32, #tpu.memory_space<vmem_shared>>
      tpu.wait_indirect_dma semaphore(%arg19 : memref<!tpu.dma_semaphore, #tpu.memory_space<semaphore_mem>>) src(%arg9 : memref<128x64xf32, #tpu.memory_space<vmem>>) dst(%dma_wait3A_221 : memref<10240x64xf32, #tpu.memory_space<vmem_shared>>)
      %add3A_222 = arith.constant 2 : i32
      %add3A_223 = arith.addi %add3A_193, %add3A_222 : i32
      %rem3A_224 = arith.constant 9 : i32
      %rem3A_225 = arith.remsi %add3A_223, %rem3A_224 : i32
      %eq3A_226 = arith.constant 0 : i32
      %eq3A_227 = arith.cmpi eq, %rem3A_225, %eq3A_226 : i32
      %lt3A_228 = arith.constant 162 : i32
      %lt3A_229 = arith.cmpi slt, %add3A_223, %lt3A_228 : i32
      %and3A_230 = arith.andi %eq3A_227, %lt3A_229 : i1
      %convert_element_type3A_231 = arith.extui %and3A_230 : i1 to i32
      %cond3A_232 = arith.constant 0 : i32
      %cond3A_233 = arith.cmpi ne, %convert_element_type3A_231, %cond3A_232 : i32
      scf.if %cond3A_233 {
        %dma_wait3A_286 = arith.constant 0 : i32
        %dma_wait3A_287 = arith.constant 0 : i32
        %dma_wait3A_288 = arith.constant 0 : i32
        %dma_wait3A_289 = tpu.memref_slice %arg7[%dma_wait3A_286, %dma_wait3A_287, %dma_wait3A_288] : memref<2x9x128xi32, #tpu.memory_space<vmem>> -> memref<1x9x128xi32, #tpu.memory_space<vmem>>
        %dma_wait3A_290 = tpu.memref_squeeze %dma_wait3A_289 : memref<1x9x128xi32, #tpu.memory_space<vmem>> -> memref<9x128xi32, #tpu.memory_space<vmem>>
        %dma_wait3A_291 = arith.constant 0 : i32
        %dma_wait3A_292 = arith.constant 0 : i32
        %dma_wait3A_293 = tpu.memref_slice %arg3[%arg1, %dma_wait3A_291, %dma_wait3A_292] : memref<16x162x128xi32, #tpu.memory_space<hbm>> -> memref<1x9x128xi32, #tpu.memory_space<hbm>>
        %dma_wait3A_294 = tpu.memref_squeeze %dma_wait3A_293 : memref<1x9x128xi32, #tpu.memory_space<hbm>> -> memref<9x128xi32, #tpu.memory_space<hbm>>
        %dma_wait3A_295 = arith.constant 0 : i32
        %dma_wait3A_296 = arith.constant 0 : i32
        %dma_wait3A_297 = tpu.memref_slice %arg7[%dma_wait3A_286, %dma_wait3A_295, %dma_wait3A_296] : memref<2x9x128xi32, #tpu.memory_space<vmem>> -> memref<1x9x128xi32, #tpu.memory_space<vmem>>
        %dma_wait3A_298 = tpu.memref_squeeze %dma_wait3A_297 : memref<1x9x128xi32, #tpu.memory_space<vmem>> -> memref<9x128xi32, #tpu.memory_space<vmem>>
        %dma_wait3A_299 = arith.constant 0 : i32
        %dma_wait3A_300 = arith.constant 0 : i32
        %dma_wait3A_301 = tpu.memref_slice %arg3[%arg1, %dma_wait3A_299, %dma_wait3A_300] : memref<16x162x128xi32, #tpu.memory_space<hbm>> -> memref<1x9x128xi32, #tpu.memory_space<hbm>>
        %dma_wait3A_302 = tpu.memref_squeeze %dma_wait3A_301 : memref<1x9x128xi32, #tpu.memory_space<hbm>> -> memref<9x128xi32, #tpu.memory_space<hbm>>
        tpu.wait_dma2 semaphore(%arg21 : memref<!tpu.dma_semaphore, #tpu.memory_space<semaphore_mem>>) src(%dma_wait3A_302 : memref<9x128xi32, #tpu.memory_space<hbm>>) dst(%dma_wait3A_298 : memref<9x128xi32, #tpu.memory_space<vmem>>)
        %dma_wait3A_303 = arith.constant 0 : i32
        %dma_wait3A_304 = arith.constant 0 : i32
        %dma_wait3A_305 = arith.constant 0 : i32
        %dma_wait3A_306 = tpu.memref_slice %arg8[%dma_wait3A_303, %dma_wait3A_304, %dma_wait3A_305] : memref<2x9x128xi32, #tpu.memory_space<vmem>> -> memref<1x9x128xi32, #tpu.memory_space<vmem>>
        %dma_wait3A_307 = tpu.memref_squeeze %dma_wait3A_306 : memref<1x9x128xi32, #tpu.memory_space<vmem>> -> memref<9x128xi32, #tpu.memory_space<vmem>>
        %dma_wait3A_308 = arith.constant 0 : i32
        %dma_wait3A_309 = arith.constant 0 : i32
        %dma_wait3A_310 = tpu.memref_slice %arg4[%arg1, %dma_wait3A_308, %dma_wait3A_309] : memref<16x162x128xi32, #tpu.memory_space<hbm>> -> memref<1x9x128xi32, #tpu.memory_space<hbm>>
        %dma_wait3A_311 = tpu.memref_squeeze %dma_wait3A_310 : memref<1x9x128xi32, #tpu.memory_space<hbm>> -> memref<9x128xi32, #tpu.memory_space<hbm>>
        %dma_wait3A_312 = arith.constant 0 : i32
        %dma_wait3A_313 = arith.constant 0 : i32
        %dma_wait3A_314 = tpu.memref_slice %arg8[%dma_wait3A_303, %dma_wait3A_312, %dma_wait3A_313] : memref<2x9x128xi32, #tpu.memory_space<vmem>> -> memref<1x9x128xi32, #tpu.memory_space<vmem>>
        %dma_wait3A_315 = tpu.memref_squeeze %dma_wait3A_314 : memref<1x9x128xi32, #tpu.memory_space<vmem>> -> memref<9x128xi32, #tpu.memory_space<vmem>>
        %dma_wait3A_316 = arith.constant 0 : i32
        %dma_wait3A_317 = arith.constant 0 : i32
        %dma_wait3A_318 = tpu.memref_slice %arg4[%arg1, %dma_wait3A_316, %dma_wait3A_317] : memref<16x162x128xi32, #tpu.memory_space<hbm>> -> memref<1x9x128xi32, #tpu.memory_space<hbm>>
        %dma_wait3A_319 = tpu.memref_squeeze %dma_wait3A_318 : memref<1x9x128xi32, #tpu.memory_space<hbm>> -> memref<9x128xi32, #tpu.memory_space<hbm>>
        tpu.wait_dma2 semaphore(%arg21 : memref<!tpu.dma_semaphore, #tpu.memory_space<semaphore_mem>>) src(%dma_wait3A_319 : memref<9x128xi32, #tpu.memory_space<hbm>>) dst(%dma_wait3A_315 : memref<9x128xi32, #tpu.memory_space<vmem>>)
      } else {
      }
      %lt3A_234 = arith.constant 162 : i32
      %lt3A_235 = arith.cmpi slt, %add3A_223, %lt3A_234 : i32
      %convert_element_type3A_236 = arith.extui %lt3A_235 : i1 to i32
      %cond3A_237 = arith.constant 0 : i32
      %cond3A_238 = arith.cmpi ne, %convert_element_type3A_236, %cond3A_237 : i32
      scf.if %cond3A_238 {
        %div3A_286 = arith.constant 9 : i32
        %div3A_287 = arith.divsi %add3A_223, %div3A_286 : i32
        %rem3A_288 = arith.constant 2 : i32
        %rem3A_289 = arith.remsi %div3A_287, %rem3A_288 : i32
        %rem3A_290 = arith.constant 9 : i32
        %rem3A_291 = arith.remsi %add3A_223, %rem3A_290 : i32
        %dma_start3A_292 = arith.constant 0 : i32
        %dma_start3A_293 = tpu.memref_slice %arg7[%rem3A_289, %rem3A_291, %dma_start3A_292] : memref<2x9x128xi32, #tpu.memory_space<vmem>> -> memref<1x1x128xi32, #tpu.memory_space<vmem>>
        %dma_start3A_294 = tpu.memref_squeeze %dma_start3A_293 : memref<1x1x128xi32, #tpu.memory_space<vmem>> -> memref<128xi32, #tpu.memory_space<vmem>>
        %dma_start3A_295 = arith.constant 0 : i32
        %dma_start3A_296 = arith.constant 0 : i32
        %dma_start3A_297 = tpu.memref_slice %arg15[%dma_start3A_295, %dma_start3A_296] : memref<10240x64xf32, #tpu.memory_space<vmem_shared>> -> memref<10240x64xf32, #tpu.memory_space<vmem_shared>>
        tpu.enqueue_indirect_dma source(%dma_start3A_297 : memref<10240x64xf32, #tpu.memory_space<vmem_shared>>) target(%arg9 : memref<128x64xf32, #tpu.memory_space<vmem>>) offsets(%dma_start3A_294 : memref<128xi32, #tpu.memory_space<vmem>>) semaphore(%arg18 : memref<!tpu.dma_semaphore, #tpu.memory_space<semaphore_mem>>)
      } else {
      }
      %add3A_239 = arith.constant 2 : i32
      %add3A_240 = arith.addi %mul3A_140, %add3A_239 : i32
      %dma_wait3A_241 = arith.constant 0 : i32
      %dma_wait3A_242 = arith.constant 0 : i32
      %dma_wait3A_243 = arith.constant 0 : i32
      %dma_wait3A_244 = tpu.memref_slice %arg7[%dma_wait3A_241, %dma_wait3A_242, %dma_wait3A_243] : memref<2x9x128xi32, #tpu.memory_space<vmem>> -> memref<1x1x128xi32, #tpu.memory_space<vmem>>
      %dma_wait3A_245 = tpu.memref_squeeze %dma_wait3A_244 : memref<1x1x128xi32, #tpu.memory_space<vmem>> -> memref<128xi32, #tpu.memory_space<vmem>>
      %dma_wait3A_246 = arith.constant 0 : i32
      %dma_wait3A_247 = arith.constant 0 : i32
      %dma_wait3A_248 = tpu.memref_slice %arg15[%dma_wait3A_246, %dma_wait3A_247] : memref<10240x64xf32, #tpu.memory_space<vmem_shared>> -> memref<10240x64xf32, #tpu.memory_space<vmem_shared>>
      tpu.wait_indirect_dma semaphore(%arg18 : memref<!tpu.dma_semaphore, #tpu.memory_space<semaphore_mem>>) src(%dma_wait3A_248 : memref<10240x64xf32, #tpu.memory_space<vmem_shared>>) dst(%arg11 : memref<128x64xf32, #tpu.memory_space<vmem>>)
      %div3A_249 = arith.constant 9 : i32
      %div3A_250 = arith.divsi %add3A_240, %div3A_249 : i32
      %rem3A_251 = arith.constant 2 : i32
      %rem3A_252 = arith.remsi %div3A_250, %rem3A_251 : i32
      %rem3A_253 = arith.constant 9 : i32
      %rem3A_254 = arith.remsi %add3A_240, %rem3A_253 : i32
      %dma_start3A_255 = arith.constant 0 : i32
      %dma_start3A_256 = tpu.memref_slice %arg8[%rem3A_252, %rem3A_254, %dma_start3A_255] : memref<2x9x128xi32, #tpu.memory_space<vmem>> -> memref<1x1x128xi32, #tpu.memory_space<vmem>>
      %dma_start3A_257 = tpu.memref_squeeze %dma_start3A_256 : memref<1x1x128xi32, #tpu.memory_space<vmem>> -> memref<128xi32, #tpu.memory_space<vmem>>
      %dma_start3A_258 = arith.constant 0 : i32
      %dma_start3A_259 = arith.constant 0 : i32
      %dma_start3A_260 = tpu.memref_slice %arg16[%dma_start3A_258, %dma_start3A_259] : memref<10240x64xf32, #tpu.memory_space<vmem_shared>> -> memref<10240x64xf32, #tpu.memory_space<vmem_shared>>
      tpu.enqueue_indirect_dma source(%arg11 : memref<128x64xf32, #tpu.memory_space<vmem>>) target(%dma_start3A_260 : memref<10240x64xf32, #tpu.memory_space<vmem_shared>>) offsets(%dma_start3A_257 : memref<128xi32, #tpu.memory_space<vmem>>) semaphore(%arg19 : memref<!tpu.dma_semaphore, #tpu.memory_space<semaphore_mem>>) {add = true}
      %dma_wait3A_261 = arith.constant 0 : i32
      %dma_wait3A_262 = arith.constant 0 : i32
      %dma_wait3A_263 = arith.constant 0 : i32
      %dma_wait3A_264 = tpu.memref_slice %arg8[%dma_wait3A_261, %dma_wait3A_262, %dma_wait3A_263] : memref<2x9x128xi32, #tpu.memory_space<vmem>> -> memref<1x1x128xi32, #tpu.memory_space<vmem>>
      %dma_wait3A_265 = tpu.memref_squeeze %dma_wait3A_264 : memref<1x1x128xi32, #tpu.memory_space<vmem>> -> memref<128xi32, #tpu.memory_space<vmem>>
      %dma_wait3A_266 = arith.constant 0 : i32
      %dma_wait3A_267 = arith.constant 0 : i32
      %dma_wait3A_268 = tpu.memref_slice %arg16[%dma_wait3A_266, %dma_wait3A_267] : memref<10240x64xf32, #tpu.memory_space<vmem_shared>> -> memref<10240x64xf32, #tpu.memory_space<vmem_shared>>
      tpu.wait_indirect_dma semaphore(%arg19 : memref<!tpu.dma_semaphore, #tpu.memory_space<semaphore_mem>>) src(%arg10 : memref<128x64xf32, #tpu.memory_space<vmem>>) dst(%dma_wait3A_268 : memref<10240x64xf32, #tpu.memory_space<vmem_shared>>)
      %add3A_269 = arith.constant 2 : i32
      %add3A_270 = arith.addi %add3A_240, %add3A_269 : i32
      %rem3A_271 = arith.constant 9 : i32
      %rem3A_272 = arith.remsi %add3A_270, %rem3A_271 : i32
      %eq3A_273 = arith.constant 0 : i32
      %eq3A_274 = arith.cmpi eq, %rem3A_272, %eq3A_273 : i32
      %lt3A_275 = arith.constant 162 : i32
      %lt3A_276 = arith.cmpi slt, %add3A_270, %lt3A_275 : i32
      %and3A_277 = arith.andi %eq3A_274, %lt3A_276 : i1
      %convert_element_type3A_278 = arith.extui %and3A_277 : i1 to i32
      %cond3A_279 = arith.constant 0 : i32
      %cond3A_280 = arith.cmpi ne, %convert_element_type3A_278, %cond3A_279 : i32
      scf.if %cond3A_280 {
        %dma_wait3A_286 = arith.constant 0 : i32
        %dma_wait3A_287 = arith.constant 0 : i32
        %dma_wait3A_288 = arith.constant 0 : i32
        %dma_wait3A_289 = tpu.memref_slice %arg7[%dma_wait3A_286, %dma_wait3A_287, %dma_wait3A_288] : memref<2x9x128xi32, #tpu.memory_space<vmem>> -> memref<1x9x128xi32, #tpu.memory_space<vmem>>
        %dma_wait3A_290 = tpu.memref_squeeze %dma_wait3A_289 : memref<1x9x128xi32, #tpu.memory_space<vmem>> -> memref<9x128xi32, #tpu.memory_space<vmem>>
        %dma_wait3A_291 = arith.constant 0 : i32
        %dma_wait3A_292 = arith.constant 0 : i32
        %dma_wait3A_293 = tpu.memref_slice %arg3[%arg1, %dma_wait3A_291, %dma_wait3A_292] : memref<16x162x128xi32, #tpu.memory_space<hbm>> -> memref<1x9x128xi32, #tpu.memory_space<hbm>>
        %dma_wait3A_294 = tpu.memref_squeeze %dma_wait3A_293 : memref<1x9x128xi32, #tpu.memory_space<hbm>> -> memref<9x128xi32, #tpu.memory_space<hbm>>
        %dma_wait3A_295 = arith.constant 0 : i32
        %dma_wait3A_296 = arith.constant 0 : i32
        %dma_wait3A_297 = tpu.memref_slice %arg7[%dma_wait3A_286, %dma_wait3A_295, %dma_wait3A_296] : memref<2x9x128xi32, #tpu.memory_space<vmem>> -> memref<1x9x128xi32, #tpu.memory_space<vmem>>
        %dma_wait3A_298 = tpu.memref_squeeze %dma_wait3A_297 : memref<1x9x128xi32, #tpu.memory_space<vmem>> -> memref<9x128xi32, #tpu.memory_space<vmem>>
        %dma_wait3A_299 = arith.constant 0 : i32
        %dma_wait3A_300 = arith.constant 0 : i32
        %dma_wait3A_301 = tpu.memref_slice %arg3[%arg1, %dma_wait3A_299, %dma_wait3A_300] : memref<16x162x128xi32, #tpu.memory_space<hbm>> -> memref<1x9x128xi32, #tpu.memory_space<hbm>>
        %dma_wait3A_302 = tpu.memref_squeeze %dma_wait3A_301 : memref<1x9x128xi32, #tpu.memory_space<hbm>> -> memref<9x128xi32, #tpu.memory_space<hbm>>
        tpu.wait_dma2 semaphore(%arg21 : memref<!tpu.dma_semaphore, #tpu.memory_space<semaphore_mem>>) src(%dma_wait3A_302 : memref<9x128xi32, #tpu.memory_space<hbm>>) dst(%dma_wait3A_298 : memref<9x128xi32, #tpu.memory_space<vmem>>)
        %dma_wait3A_303 = arith.constant 0 : i32
        %dma_wait3A_304 = arith.constant 0 : i32
        %dma_wait3A_305 = arith.constant 0 : i32
        %dma_wait3A_306 = tpu.memref_slice %arg8[%dma_wait3A_303, %dma_wait3A_304, %dma_wait3A_305] : memref<2x9x128xi32, #tpu.memory_space<vmem>> -> memref<1x9x128xi32, #tpu.memory_space<vmem>>
        %dma_wait3A_307 = tpu.memref_squeeze %dma_wait3A_306 : memref<1x9x128xi32, #tpu.memory_space<vmem>> -> memref<9x128xi32, #tpu.memory_space<vmem>>
        %dma_wait3A_308 = arith.constant 0 : i32
        %dma_wait3A_309 = arith.constant 0 : i32
        %dma_wait3A_310 = tpu.memref_slice %arg4[%arg1, %dma_wait3A_308, %dma_wait3A_309] : memref<16x162x128xi32, #tpu.memory_space<hbm>> -> memref<1x9x128xi32, #tpu.memory_space<hbm>>
        %dma_wait3A_311 = tpu.memref_squeeze %dma_wait3A_310 : memref<1x9x128xi32, #tpu.memory_space<hbm>> -> memref<9x128xi32, #tpu.memory_space<hbm>>
        %dma_wait3A_312 = arith.constant 0 : i32
        %dma_wait3A_313 = arith.constant 0 : i32
        %dma_wait3A_314 = tpu.memref_slice %arg8[%dma_wait3A_303, %dma_wait3A_312, %dma_wait3A_313] : memref<2x9x128xi32, #tpu.memory_space<vmem>> -> memref<1x9x128xi32, #tpu.memory_space<vmem>>
        %dma_wait3A_315 = tpu.memref_squeeze %dma_wait3A_314 : memref<1x9x128xi32, #tpu.memory_space<vmem>> -> memref<9x128xi32, #tpu.memory_space<vmem>>
        %dma_wait3A_316 = arith.constant 0 : i32
        %dma_wait3A_317 = arith.constant 0 : i32
        %dma_wait3A_318 = tpu.memref_slice %arg4[%arg1, %dma_wait3A_316, %dma_wait3A_317] : memref<16x162x128xi32, #tpu.memory_space<hbm>> -> memref<1x9x128xi32, #tpu.memory_space<hbm>>
        %dma_wait3A_319 = tpu.memref_squeeze %dma_wait3A_318 : memref<1x9x128xi32, #tpu.memory_space<hbm>> -> memref<9x128xi32, #tpu.memory_space<hbm>>
        tpu.wait_dma2 semaphore(%arg21 : memref<!tpu.dma_semaphore, #tpu.memory_space<semaphore_mem>>) src(%dma_wait3A_319 : memref<9x128xi32, #tpu.memory_space<hbm>>) dst(%dma_wait3A_315 : memref<9x128xi32, #tpu.memory_space<vmem>>)
      } else {
      }
      %lt3A_281 = arith.constant 162 : i32
      %lt3A_282 = arith.cmpi slt, %add3A_270, %lt3A_281 : i32
      %convert_element_type3A_283 = arith.extui %lt3A_282 : i1 to i32
      %cond3A_284 = arith.constant 0 : i32
      %cond3A_285 = arith.cmpi ne, %convert_element_type3A_283, %cond3A_284 : i32
      scf.if %cond3A_285 {
        %div3A_286 = arith.constant 9 : i32
        %div3A_287 = arith.divsi %add3A_270, %div3A_286 : i32
        %rem3A_288 = arith.constant 2 : i32
        %rem3A_289 = arith.remsi %div3A_287, %rem3A_288 : i32
        %rem3A_290 = arith.constant 9 : i32
        %rem3A_291 = arith.remsi %add3A_270, %rem3A_290 : i32
        %dma_start3A_292 = arith.constant 0 : i32
        %dma_start3A_293 = tpu.memref_slice %arg7[%rem3A_289, %rem3A_291, %dma_start3A_292] : memref<2x9x128xi32, #tpu.memory_space<vmem>> -> memref<1x1x128xi32, #tpu.memory_space<vmem>>
        %dma_start3A_294 = tpu.memref_squeeze %dma_start3A_293 : memref<1x1x128xi32, #tpu.memory_space<vmem>> -> memref<128xi32, #tpu.memory_space<vmem>>
        %dma_start3A_295 = arith.constant 0 : i32
        %dma_start3A_296 = arith.constant 0 : i32
        %dma_start3A_297 = tpu.memref_slice %arg15[%dma_start3A_295, %dma_start3A_296] : memref<10240x64xf32, #tpu.memory_space<vmem_shared>> -> memref<10240x64xf32, #tpu.memory_space<vmem_shared>>
        tpu.enqueue_indirect_dma source(%dma_start3A_297 : memref<10240x64xf32, #tpu.memory_space<vmem_shared>>) target(%arg10 : memref<128x64xf32, #tpu.memory_space<vmem>>) offsets(%dma_start3A_294 : memref<128xi32, #tpu.memory_space<vmem>>) semaphore(%arg18 : memref<!tpu.dma_semaphore, #tpu.memory_space<semaphore_mem>>)
      } else {
      }
    }
    %scan3A_75 = arith.constant 54 : i32
    %dma_wait3A = arith.constant 0 : i32
    %dma_wait3A_76 = arith.constant 0 : i32
    %dma_wait3A_77 = arith.constant 0 : i32
    %dma_wait3A_78 = tpu.memref_slice %arg8[%dma_wait3A, %dma_wait3A_76, %dma_wait3A_77] : memref<2x9x128xi32, #tpu.memory_space<vmem>> -> memref<1x1x128xi32, #tpu.memory_space<vmem>>
    %dma_wait3A_79 = tpu.memref_squeeze %dma_wait3A_78 : memref<1x1x128xi32, #tpu.memory_space<vmem>> -> memref<128xi32, #tpu.memory_space<vmem>>
    %dma_wait3A_80 = arith.constant 0 : i32
    %dma_wait3A_81 = arith.constant 0 : i32
    %dma_wait3A_82 = tpu.memref_slice %arg16[%dma_wait3A_80, %dma_wait3A_81] : memref<10240x64xf32, #tpu.memory_space<vmem_shared>> -> memref<10240x64xf32, #tpu.memory_space<vmem_shared>>
    tpu.wait_indirect_dma semaphore(%arg19 : memref<!tpu.dma_semaphore, #tpu.memory_space<semaphore_mem>>) src(%arg11 : memref<128x64xf32, #tpu.memory_space<vmem>>) dst(%dma_wait3A_82 : memref<10240x64xf32, #tpu.memory_space<vmem_shared>>)
    %barrier3A_83 = arith.constant 0 : index
    tpu.barrier barrier_id(%barrier3A_83)
    %scan3A_84 = arith.constant 0 : i32
    %scan3A_85 = arith.constant 0 : i32
    %scan3A_86 = arith.constant 10 : i32
    %scan3A_87 = arith.addi %scan3A_85, %scan3A_86 : i32
    %scan3A_88 = arith.constant 1 : i32
    scf.for %scan3A_138 = %scan3A_85 to %scan3A_87 step %scan3A_88  : i32 {
      %mul3A_139 = arith.constant 64 : i32
      %mul3A_140 = arith.muli %scan3A_138, %mul3A_139 : i32
      %add3A = arith.addi %mul3A_0, %mul3A_140 : i32
      "tpu.region"() ({
        %run_scoped3A_147 = tpu.sem_alloc : memref<!tpu.dma_semaphore, #tpu.memory_space<semaphore_mem>>
        %dma_start3A_148 = arith.constant 0 : i32
        %dma_start3A_149 = tpu.memref_slice %arg16[%add3A, %dma_start3A_148] : memref<10240x64xf32, #tpu.memory_space<vmem_shared>> -> memref<64x64xf32, #tpu.memory_space<vmem_shared>>
        %dma_start3A_150 = arith.constant 0 : i32
        %dma_start3A_151 = tpu.memref_slice %arg16[%add3A, %dma_start3A_150] : memref<10240x64xf32, #tpu.memory_space<vmem_shared>> -> memref<64x64xf32, #tpu.memory_space<vmem_shared>>
        tpu.enqueue_dma source(%dma_start3A_151 : memref<64x64xf32, #tpu.memory_space<vmem_shared>>) target(%arg12 : memref<64x64xf32, #tpu.memory_space<vmem>>) target_semaphore(%run_scoped3A_147 : memref<!tpu.dma_semaphore, #tpu.memory_space<semaphore_mem>>)
        %dma_wait3A_152 = arith.constant 0 : i32
        %dma_wait3A_153 = tpu.memref_slice %arg16[%add3A, %dma_wait3A_152] : memref<10240x64xf32, #tpu.memory_space<vmem_shared>> -> memref<64x64xf32, #tpu.memory_space<vmem_shared>>
        %dma_wait3A_154 = arith.constant 0 : i32
        %dma_wait3A_155 = tpu.memref_slice %arg16[%add3A, %dma_wait3A_154] : memref<10240x64xf32, #tpu.memory_space<vmem_shared>> -> memref<64x64xf32, #tpu.memory_space<vmem_shared>>
        tpu.wait_dma2 semaphore(%run_scoped3A_147 : memref<!tpu.dma_semaphore, #tpu.memory_space<semaphore_mem>>) src(%dma_wait3A_155 : memref<64x64xf32, #tpu.memory_space<vmem_shared>>) dst(%arg12 : memref<64x64xf32, #tpu.memory_space<vmem>>)
        tpu.yield
      }) : () -> ()
      "tpu.region"() ({
        %run_scoped3A_147 = tpu.sem_alloc : memref<!tpu.dma_semaphore, #tpu.memory_space<semaphore_mem>>
        %dma_start3A_148 = arith.constant 0 : i32
        %dma_start3A_149 = tpu.memref_slice %arg17[%add3A, %dma_start3A_148] : memref<10240x16xf32, #tpu.memory_space<vmem_shared>> -> memref<64x16xf32, #tpu.memory_space<vmem_shared>>
        %dma_start3A_150 = arith.constant 0 : i32
        %dma_start3A_151 = tpu.memref_slice %arg17[%add3A, %dma_start3A_150] : memref<10240x16xf32, #tpu.memory_space<vmem_shared>> -> memref<64x16xf32, #tpu.memory_space<vmem_shared>>
        tpu.enqueue_dma source(%dma_start3A_151 : memref<64x16xf32, #tpu.memory_space<vmem_shared>>) target(%arg13 : memref<64x16xf32, #tpu.memory_space<vmem>>) target_semaphore(%run_scoped3A_147 : memref<!tpu.dma_semaphore, #tpu.memory_space<semaphore_mem>>)
        %dma_wait3A_152 = arith.constant 0 : i32
        %dma_wait3A_153 = tpu.memref_slice %arg17[%add3A, %dma_wait3A_152] : memref<10240x16xf32, #tpu.memory_space<vmem_shared>> -> memref<64x16xf32, #tpu.memory_space<vmem_shared>>
        %dma_wait3A_154 = arith.constant 0 : i32
        %dma_wait3A_155 = tpu.memref_slice %arg17[%add3A, %dma_wait3A_154] : memref<10240x16xf32, #tpu.memory_space<vmem_shared>> -> memref<64x16xf32, #tpu.memory_space<vmem_shared>>
        tpu.wait_dma2 semaphore(%run_scoped3A_147 : memref<!tpu.dma_semaphore, #tpu.memory_space<semaphore_mem>>) src(%dma_wait3A_155 : memref<64x16xf32, #tpu.memory_space<vmem_shared>>) dst(%arg13 : memref<64x16xf32, #tpu.memory_space<vmem>>)
        tpu.yield
      }) : () -> ()
      %scan3A_141 = arith.constant 0 : i32
      %scan3A_142 = arith.constant 0 : i32
      %scan3A_143 = arith.constant 64 : i32
      %scan3A_144 = arith.addi %scan3A_142, %scan3A_143 : i32
      %scan3A_145 = arith.constant 1 : i32
      scf.for %scan3A_147 = %scan3A_142 to %scan3A_144 step %scan3A_145  : i32 {
        %get3A = arith.index_cast %scan3A_147 : i32 to index
        %get3A_148 = arith.constant 0 : index
        %get3A_149 = tpu.vector_load %arg13[%get3A, %get3A_148] {strides = array<i32>} : memref<64x16xf32, #tpu.memory_space<vmem>>, vector<1x16xf32>,
        %get3A_150 = vector.shape_cast %get3A_149 : vector<1x16xf32> to vector<16xf32>
        %mul3A_151 = arith.mulf %get3A_150, %get3A_150 : vector<16xf32>
        %get3A_152 = arith.index_cast %scan3A_147 : i32 to index
        %get3A_153 = arith.constant 0 : index
        %get3A_154 = tpu.vector_load %arg12[%get3A_152, %get3A_153] {strides = array<i32>} : memref<64x64xf32, #tpu.memory_space<vmem>>, vector<1x16xf32>,
        %get3A_155 = vector.shape_cast %get3A_154 : vector<1x16xf32> to vector<16xf32>
        %mul3A_156 = arith.mulf %get3A_155, %mul3A_151 : vector<16xf32>
        %swap3A = arith.index_cast %scan3A_147 : i32 to index
        %swap3A_157 = arith.constant 0 : index
        %swap3A_158 = tpu.vector_load %arg12[%swap3A, %swap3A_157] {strides = array<i32>} : memref<64x64xf32, #tpu.memory_space<vmem>>, vector<1x16xf32>,
        %swap3A_159 = vector.shape_cast %swap3A_158 : vector<1x16xf32> to vector<16xf32>
        %swap3A_160 = vector.shape_cast %mul3A_156 : vector<16xf32> to vector<1x16xf32>
        tpu.vector_store %arg12[%swap3A, %swap3A_157], %swap3A_160 {strides = array<i32>} : memref<64x64xf32, #tpu.memory_space<vmem>>, vector<1x16xf32>,
        %get3A_161 = arith.index_cast %scan3A_147 : i32 to index
        %get3A_162 = arith.constant 16 : index
        %get3A_163 = tpu.vector_load %arg12[%get3A_161, %get3A_162] {strides = array<i32>} : memref<64x64xf32, #tpu.memory_space<vmem>>, vector<1x16xf32>,
        %get3A_164 = vector.shape_cast %get3A_163 : vector<1x16xf32> to vector<16xf32>
        %mul3A_165 = arith.mulf %get3A_164, %mul3A_151 : vector<16xf32>
        %swap3A_166 = arith.index_cast %scan3A_147 : i32 to index
        %swap3A_167 = arith.constant 16 : index
        %swap3A_168 = tpu.vector_load %arg12[%swap3A_166, %swap3A_167] {strides = array<i32>} : memref<64x64xf32, #tpu.memory_space<vmem>>, vector<1x16xf32>,
        %swap3A_169 = vector.shape_cast %swap3A_168 : vector<1x16xf32> to vector<16xf32>
        %swap3A_170 = vector.shape_cast %mul3A_165 : vector<16xf32> to vector<1x16xf32>
        tpu.vector_store %arg12[%swap3A_166, %swap3A_167], %swap3A_170 {strides = array<i32>} : memref<64x64xf32, #tpu.memory_space<vmem>>, vector<1x16xf32>,
        %get3A_171 = arith.index_cast %scan3A_147 : i32 to index
        %get3A_172 = arith.constant 32 : index
        %get3A_173 = tpu.vector_load %arg12[%get3A_171, %get3A_172] {strides = array<i32>} : memref<64x64xf32, #tpu.memory_space<vmem>>, vector<1x16xf32>,
        %get3A_174 = vector.shape_cast %get3A_173 : vector<1x16xf32> to vector<16xf32>
        %mul3A_175 = arith.mulf %get3A_174, %mul3A_151 : vector<16xf32>
        %swap3A_176 = arith.index_cast %scan3A_147 : i32 to index
        %swap3A_177 = arith.constant 32 : index
        %swap3A_178 = tpu.vector_load %arg12[%swap3A_176, %swap3A_177] {strides = array<i32>} : memref<64x64xf32, #tpu.memory_space<vmem>>, vector<1x16xf32>,
        %swap3A_179 = vector.shape_cast %swap3A_178 : vector<1x16xf32> to vector<16xf32>
        %swap3A_180 = vector.shape_cast %mul3A_175 : vector<16xf32> to vector<1x16xf32>
        tpu.vector_store %arg12[%swap3A_176, %swap3A_177], %swap3A_180 {strides = array<i32>} : memref<64x64xf32, #tpu.memory_space<vmem>>, vector<1x16xf32>,
        %get3A_181 = arith.index_cast %scan3A_147 : i32 to index
        %get3A_182 = arith.constant 48 : index
        %get3A_183 = tpu.vector_load %arg12[%get3A_181, %get3A_182] {strides = array<i32>} : memref<64x64xf32, #tpu.memory_space<vmem>>, vector<1x16xf32>,
        %get3A_184 = vector.shape_cast %get3A_183 : vector<1x16xf32> to vector<16xf32>
        %mul3A_185 = arith.mulf %get3A_184, %mul3A_151 : vector<16xf32>
        %swap3A_186 = arith.index_cast %scan3A_147 : i32 to index
        %swap3A_187 = arith.constant 48 : index
        %swap3A_188 = tpu.vector_load %arg12[%swap3A_186, %swap3A_187] {strides = array<i32>} : memref<64x64xf32, #tpu.memory_space<vmem>>, vector<1x16xf32>,
        %swap3A_189 = vector.shape_cast %swap3A_188 : vector<1x16xf32> to vector<16xf32>
        %swap3A_190 = vector.shape_cast %mul3A_185 : vector<16xf32> to vector<1x16xf32>
        tpu.vector_store %arg12[%swap3A_186, %swap3A_187], %swap3A_190 {strides = array<i32>} : memref<64x64xf32, #tpu.memory_space<vmem>>, vector<1x16xf32>,
      }
      %scan3A_146 = arith.constant 64 : i32
      "tpu.region"() ({
        %run_scoped3A_147 = tpu.sem_alloc : memref<!tpu.dma_semaphore, #tpu.memory_space<semaphore_mem>>
        %dma_start3A_148 = arith.constant 0 : i32
        %dma_start3A_149 = tpu.memref_slice %arg15[%add3A, %dma_start3A_148] : memref<10240x64xf32, #tpu.memory_space<vmem_shared>> -> memref<64x64xf32, #tpu.memory_space<vmem_shared>>
        %dma_start3A_150 = arith.constant 0 : i32
        %dma_start3A_151 = tpu.memref_slice %arg15[%add3A, %dma_start3A_150] : memref<10240x64xf32, #tpu.memory_space<vmem_shared>> -> memref<64x64xf32, #tpu.memory_space<vmem_shared>>
        tpu.enqueue_dma source(%arg12 : memref<64x64xf32, #tpu.memory_space<vmem>>) target(%dma_start3A_151 : memref<64x64xf32, #tpu.memory_space<vmem_shared>>) target_semaphore(%run_scoped3A_147 : memref<!tpu.dma_semaphore, #tpu.memory_space<semaphore_mem>>)
        %dma_wait3A_152 = arith.constant 0 : i32
        %dma_wait3A_153 = tpu.memref_slice %arg15[%add3A, %dma_wait3A_152] : memref<10240x64xf32, #tpu.memory_space<vmem_shared>> -> memref<64x64xf32, #tpu.memory_space<vmem_shared>>
        %dma_wait3A_154 = arith.constant 0 : i32
        %dma_wait3A_155 = tpu.memref_slice %arg15[%add3A, %dma_wait3A_154] : memref<10240x64xf32, #tpu.memory_space<vmem_shared>> -> memref<64x64xf32, #tpu.memory_space<vmem_shared>>
        tpu.wait_dma2 semaphore(%run_scoped3A_147 : memref<!tpu.dma_semaphore, #tpu.memory_space<semaphore_mem>>) src(%arg12 : memref<64x64xf32, #tpu.memory_space<vmem>>) dst(%dma_wait3A_155 : memref<64x64xf32, #tpu.memory_space<vmem_shared>>)
        tpu.yield
      }) : () -> ()
      "tpu.region"() ({
        %run_scoped3A_147 = tpu.sem_alloc : memref<!tpu.dma_semaphore, #tpu.memory_space<semaphore_mem>>
        %dma_start3A_148 = arith.constant 0 : i32
        %dma_start3A_149 = tpu.memref_slice %arg16[%add3A, %dma_start3A_148] : memref<10240x64xf32, #tpu.memory_space<vmem_shared>> -> memref<64x64xf32, #tpu.memory_space<vmem_shared>>
        %dma_start3A_150 = arith.constant 0 : i32
        %dma_start3A_151 = tpu.memref_slice %arg16[%add3A, %dma_start3A_150] : memref<10240x64xf32, #tpu.memory_space<vmem_shared>> -> memref<64x64xf32, #tpu.memory_space<vmem_shared>>
        tpu.enqueue_dma source(%arg12 : memref<64x64xf32, #tpu.memory_space<vmem>>) target(%dma_start3A_151 : memref<64x64xf32, #tpu.memory_space<vmem_shared>>) target_semaphore(%run_scoped3A_147 : memref<!tpu.dma_semaphore, #tpu.memory_space<semaphore_mem>>)
        %dma_wait3A_152 = arith.constant 0 : i32
        %dma_wait3A_153 = tpu.memref_slice %arg16[%add3A, %dma_wait3A_152] : memref<10240x64xf32, #tpu.memory_space<vmem_shared>> -> memref<64x64xf32, #tpu.memory_space<vmem_shared>>
        %dma_wait3A_154 = arith.constant 0 : i32
        %dma_wait3A_155 = tpu.memref_slice %arg16[%add3A, %dma_wait3A_154] : memref<10240x64xf32, #tpu.memory_space<vmem_shared>> -> memref<64x64xf32, #tpu.memory_space<vmem_shared>>
        tpu.wait_dma2 semaphore(%run_scoped3A_147 : memref<!tpu.dma_semaphore, #tpu.memory_space<semaphore_mem>>) src(%arg12 : memref<64x64xf32, #tpu.memory_space<vmem>>) dst(%dma_wait3A_155 : memref<64x64xf32, #tpu.memory_space<vmem_shared>>)
        tpu.yield
      }) : () -> ()
    }
    %scan3A_89 = arith.constant 10 : i32
    %barrier3A_90 = arith.constant 0 : index
    tpu.barrier barrier_id(%barrier3A_90)
    %run_scoped3A_91 = arith.constant 0 : i32
    "tpu.region"() ({
      %run_scoped3A_138 = tpu.sem_alloc : memref<!tpu.dma_semaphore, #tpu.memory_space<semaphore_mem>>
      %dma_start3A_139 = arith.constant 0 : i32
      %dma_start3A_140 = arith.constant 0 : i32
      %dma_start3A_141 = tpu.memref_slice %arg7[%run_scoped3A_91, %dma_start3A_139, %dma_start3A_140] : memref<2x9x128xi32, #tpu.memory_space<vmem>> -> memref<1x9x128xi32, #tpu.memory_space<vmem>>
      %dma_start3A_142 = tpu.memref_squeeze %dma_start3A_141 : memref<1x9x128xi32, #tpu.memory_space<vmem>> -> memref<9x128xi32, #tpu.memory_space<vmem>>
      %dma_start3A_143 = arith.constant 0 : i32
      %dma_start3A_144 = arith.constant 0 : i32
      %dma_start3A_145 = tpu.memref_slice %arg3[%arg1, %dma_start3A_143, %dma_start3A_144] : memref<16x162x128xi32, #tpu.memory_space<hbm>> -> memref<1x9x128xi32, #tpu.memory_space<hbm>>
      %dma_start3A_146 = tpu.memref_squeeze %dma_start3A_145 : memref<1x9x128xi32, #tpu.memory_space<hbm>> -> memref<9x128xi32, #tpu.memory_space<hbm>>
      %dma_start3A_147 = arith.constant 0 : i32
      %dma_start3A_148 = arith.constant 0 : i32
      %dma_start3A_149 = tpu.memref_slice %arg7[%run_scoped3A_91, %dma_start3A_147, %dma_start3A_148] : memref<2x9x128xi32, #tpu.memory_space<vmem>> -> memref<1x9x128xi32, #tpu.memory_space<vmem>>
      %dma_start3A_150 = tpu.memref_squeeze %dma_start3A_149 : memref<1x9x128xi32, #tpu.memory_space<vmem>> -> memref<9x128xi32, #tpu.memory_space<vmem>>
      %dma_start3A_151 = arith.constant 0 : i32
      %dma_start3A_152 = arith.constant 0 : i32
      %dma_start3A_153 = tpu.memref_slice %arg3[%arg1, %dma_start3A_151, %dma_start3A_152] : memref<16x162x128xi32, #tpu.memory_space<hbm>> -> memref<1x9x128xi32, #tpu.memory_space<hbm>>
      %dma_start3A_154 = tpu.memref_squeeze %dma_start3A_153 : memref<1x9x128xi32, #tpu.memory_space<hbm>> -> memref<9x128xi32, #tpu.memory_space<hbm>>
      tpu.enqueue_dma source(%dma_start3A_154 : memref<9x128xi32, #tpu.memory_space<hbm>>) target(%dma_start3A_150 : memref<9x128xi32, #tpu.memory_space<vmem>>) target_semaphore(%run_scoped3A_138 : memref<!tpu.dma_semaphore, #tpu.memory_space<semaphore_mem>>)
      %dma_wait3A_155 = arith.constant 0 : i32
      %dma_wait3A_156 = arith.constant 0 : i32
      %dma_wait3A_157 = tpu.memref_slice %arg7[%run_scoped3A_91, %dma_wait3A_155, %dma_wait3A_156] : memref<2x9x128xi32, #tpu.memory_space<vmem>> -> memref<1x9x128xi32, #tpu.memory_space<vmem>>
      %dma_wait3A_158 = tpu.memref_squeeze %dma_wait3A_157 : memref<1x9x128xi32, #tpu.memory_space<vmem>> -> memref<9x128xi32, #tpu.memory_space<vmem>>
      %dma_wait3A_159 = arith.constant 0 : i32
      %dma_wait3A_160 = arith.constant 0 : i32
      %dma_wait3A_161 = tpu.memref_slice %arg3[%arg1, %dma_wait3A_159, %dma_wait3A_160] : memref<16x162x128xi32, #tpu.memory_space<hbm>> -> memref<1x9x128xi32, #tpu.memory_space<hbm>>
      %dma_wait3A_162 = tpu.memref_squeeze %dma_wait3A_161 : memref<1x9x128xi32, #tpu.memory_space<hbm>> -> memref<9x128xi32, #tpu.memory_space<hbm>>
      %dma_wait3A_163 = arith.constant 0 : i32
      %dma_wait3A_164 = arith.constant 0 : i32
      %dma_wait3A_165 = tpu.memref_slice %arg7[%run_scoped3A_91, %dma_wait3A_163, %dma_wait3A_164] : memref<2x9x128xi32, #tpu.memory_space<vmem>> -> memref<1x9x128xi32, #tpu.memory_space<vmem>>
      %dma_wait3A_166 = tpu.memref_squeeze %dma_wait3A_165 : memref<1x9x128xi32, #tpu.memory_space<vmem>> -> memref<9x128xi32, #tpu.memory_space<vmem>>
      %dma_wait3A_167 = arith.constant 0 : i32
      %dma_wait3A_168 = arith.constant 0 : i32
      %dma_wait3A_169 = tpu.memref_slice %arg3[%arg1, %dma_wait3A_167, %dma_wait3A_168] : memref<16x162x128xi32, #tpu.memory_space<hbm>> -> memref<1x9x128xi32, #tpu.memory_space<hbm>>
      %dma_wait3A_170 = tpu.memref_squeeze %dma_wait3A_169 : memref<1x9x128xi32, #tpu.memory_space<hbm>> -> memref<9x128xi32, #tpu.memory_space<hbm>>
      tpu.wait_dma2 semaphore(%run_scoped3A_138 : memref<!tpu.dma_semaphore, #tpu.memory_space<semaphore_mem>>) src(%dma_wait3A_170 : memref<9x128xi32, #tpu.memory_space<hbm>>) dst(%dma_wait3A_166 : memref<9x128xi32, #tpu.memory_space<vmem>>)
      tpu.yield
    }) : () -> ()
    %run_scoped3A_92 = arith.constant 0 : i32
    "tpu.region"() ({
      %run_scoped3A_138 = tpu.sem_alloc : memref<!tpu.dma_semaphore, #tpu.memory_space<semaphore_mem>>
      %dma_start3A_139 = arith.constant 0 : i32
      %dma_start3A_140 = arith.constant 0 : i32
      %dma_start3A_141 = tpu.memref_slice %arg8[%run_scoped3A_92, %dma_start3A_139, %dma_start3A_140] : memref<2x9x128xi32, #tpu.memory_space<vmem>> -> memref<1x9x128xi32, #tpu.memory_space<vmem>>
      %dma_start3A_142 = tpu.memref_squeeze %dma_start3A_141 : memref<1x9x128xi32, #tpu.memory_space<vmem>> -> memref<9x128xi32, #tpu.memory_space<vmem>>
      %dma_start3A_143 = arith.constant 0 : i32
      %dma_start3A_144 = arith.constant 0 : i32
      %dma_start3A_145 = tpu.memref_slice %arg4[%arg1, %dma_start3A_143, %dma_start3A_144] : memref<16x162x128xi32, #tpu.memory_space<hbm>> -> memref<1x9x128xi32, #tpu.memory_space<hbm>>
      %dma_start3A_146 = tpu.memref_squeeze %dma_start3A_145 : memref<1x9x128xi32, #tpu.memory_space<hbm>> -> memref<9x128xi32, #tpu.memory_space<hbm>>
      %dma_start3A_147 = arith.constant 0 : i32
      %dma_start3A_148 = arith.constant 0 : i32
      %dma_start3A_149 = tpu.memref_slice %arg8[%run_scoped3A_92, %dma_start3A_147, %dma_start3A_148] : memref<2x9x128xi32, #tpu.memory_space<vmem>> -> memref<1x9x128xi32, #tpu.memory_space<vmem>>
      %dma_start3A_150 = tpu.memref_squeeze %dma_start3A_149 : memref<1x9x128xi32, #tpu.memory_space<vmem>> -> memref<9x128xi32, #tpu.memory_space<vmem>>
      %dma_start3A_151 = arith.constant 0 : i32
      %dma_start3A_152 = arith.constant 0 : i32
      %dma_start3A_153 = tpu.memref_slice %arg4[%arg1, %dma_start3A_151, %dma_start3A_152] : memref<16x162x128xi32, #tpu.memory_space<hbm>> -> memref<1x9x128xi32, #tpu.memory_space<hbm>>
      %dma_start3A_154 = tpu.memref_squeeze %dma_start3A_153 : memref<1x9x128xi32, #tpu.memory_space<hbm>> -> memref<9x128xi32, #tpu.memory_space<hbm>>
      tpu.enqueue_dma source(%dma_start3A_154 : memref<9x128xi32, #tpu.memory_space<hbm>>) target(%dma_start3A_150 : memref<9x128xi32, #tpu.memory_space<vmem>>) target_semaphore(%run_scoped3A_138 : memref<!tpu.dma_semaphore, #tpu.memory_space<semaphore_mem>>)
      %dma_wait3A_155 = arith.constant 0 : i32
      %dma_wait3A_156 = arith.constant 0 : i32
      %dma_wait3A_157 = tpu.memref_slice %arg8[%run_scoped3A_92, %dma_wait3A_155, %dma_wait3A_156] : memref<2x9x128xi32, #tpu.memory_space<vmem>> -> memref<1x9x128xi32, #tpu.memory_space<vmem>>
      %dma_wait3A_158 = tpu.memref_squeeze %dma_wait3A_157 : memref<1x9x128xi32, #tpu.memory_space<vmem>> -> memref<9x128xi32, #tpu.memory_space<vmem>>
      %dma_wait3A_159 = arith.constant 0 : i32
      %dma_wait3A_160 = arith.constant 0 : i32
      %dma_wait3A_161 = tpu.memref_slice %arg4[%arg1, %dma_wait3A_159, %dma_wait3A_160] : memref<16x162x128xi32, #tpu.memory_space<hbm>> -> memref<1x9x128xi32, #tpu.memory_space<hbm>>
      %dma_wait3A_162 = tpu.memref_squeeze %dma_wait3A_161 : memref<1x9x128xi32, #tpu.memory_space<hbm>> -> memref<9x128xi32, #tpu.memory_space<hbm>>
      %dma_wait3A_163 = arith.constant 0 : i32
      %dma_wait3A_164 = arith.constant 0 : i32
      %dma_wait3A_165 = tpu.memref_slice %arg8[%run_scoped3A_92, %dma_wait3A_163, %dma_wait3A_164] : memref<2x9x128xi32, #tpu.memory_space<vmem>> -> memref<1x9x128xi32, #tpu.memory_space<vmem>>
      %dma_wait3A_166 = tpu.memref_squeeze %dma_wait3A_165 : memref<1x9x128xi32, #tpu.memory_space<vmem>> -> memref<9x128xi32, #tpu.memory_space<vmem>>
      %dma_wait3A_167 = arith.constant 0 : i32
      %dma_wait3A_168 = arith.constant 0 : i32
      %dma_wait3A_169 = tpu.memref_slice %arg4[%arg1, %dma_wait3A_167, %dma_wait3A_168] : memref<16x162x128xi32, #tpu.memory_space<hbm>> -> memref<1x9x128xi32, #tpu.memory_space<hbm>>
      %dma_wait3A_170 = tpu.memref_squeeze %dma_wait3A_169 : memref<1x9x128xi32, #tpu.memory_space<hbm>> -> memref<9x128xi32, #tpu.memory_space<hbm>>
      tpu.wait_dma2 semaphore(%run_scoped3A_138 : memref<!tpu.dma_semaphore, #tpu.memory_space<semaphore_mem>>) src(%dma_wait3A_170 : memref<9x128xi32, #tpu.memory_space<hbm>>) dst(%dma_wait3A_166 : memref<9x128xi32, #tpu.memory_space<vmem>>)
      tpu.yield
    }) : () -> ()
    %div3A_93 = arith.constant 0 : i32
    %div3A_94 = arith.constant 9 : i32
    %div3A_95 = arith.divsi %div3A_93, %div3A_94 : i32
    %rem3A_96 = arith.constant 2 : i32
    %rem3A_97 = arith.remsi %div3A_95, %rem3A_96 : i32
    %rem3A_98 = arith.constant 0 : i32
    %rem3A_99 = arith.constant 9 : i32
    %rem3A_100 = arith.remsi %rem3A_98, %rem3A_99 : i32
    %dma_start3A_101 = arith.constant 0 : i32
    %dma_start3A_102 = tpu.memref_slice %arg7[%rem3A_97, %rem3A_100, %dma_start3A_101] : memref<2x9x128xi32, #tpu.memory_space<vmem>> -> memref<1x1x128xi32, #tpu.memory_space<vmem>>
    %dma_start3A_103 = tpu.memref_squeeze %dma_start3A_102 : memref<1x1x128xi32, #tpu.memory_space<vmem>> -> memref<128xi32, #tpu.memory_space<vmem>>
    %dma_start3A_104 = arith.constant 0 : i32
    %dma_start3A_105 = arith.constant 0 : i32
    %dma_start3A_106 = tpu.memref_slice %arg15[%dma_start3A_104, %dma_start3A_105] : memref<10240x64xf32, #tpu.memory_space<vmem_shared>> -> memref<10240x64xf32, #tpu.memory_space<vmem_shared>>
    tpu.enqueue_indirect_dma source(%dma_start3A_106 : memref<10240x64xf32, #tpu.memory_space<vmem_shared>>) target(%arg9 : memref<128x64xf32, #tpu.memory_space<vmem>>) offsets(%dma_start3A_103 : memref<128xi32, #tpu.memory_space<vmem>>) semaphore(%arg18 : memref<!tpu.dma_semaphore, #tpu.memory_space<semaphore_mem>>)
    %div3A_107 = arith.constant 1 : i32
    %div3A_108 = arith.constant 9 : i32
    %div3A_109 = arith.divsi %div3A_107, %div3A_108 : i32
    %rem3A_110 = arith.constant 2 : i32
    %rem3A_111 = arith.remsi %div3A_109, %rem3A_110 : i32
    %rem3A_112 = arith.constant 1 : i32
    %rem3A_113 = arith.constant 9 : i32
    %rem3A_114 = arith.remsi %rem3A_112, %rem3A_113 : i32
    %dma_start3A_115 = arith.constant 0 : i32
    %dma_start3A_116 = tpu.memref_slice %arg7[%rem3A_111, %rem3A_114, %dma_start3A_115] : memref<2x9x128xi32, #tpu.memory_space<vmem>> -> memref<1x1x128xi32, #tpu.memory_space<vmem>>
    %dma_start3A_117 = tpu.memref_squeeze %dma_start3A_116 : memref<1x1x128xi32, #tpu.memory_space<vmem>> -> memref<128xi32, #tpu.memory_space<vmem>>
    %dma_start3A_118 = arith.constant 0 : i32
    %dma_start3A_119 = arith.constant 0 : i32
    %dma_start3A_120 = tpu.memref_slice %arg15[%dma_start3A_118, %dma_start3A_119] : memref<10240x64xf32, #tpu.memory_space<vmem_shared>> -> memref<10240x64xf32, #tpu.memory_space<vmem_shared>>
    tpu.enqueue_indirect_dma source(%dma_start3A_120 : memref<10240x64xf32, #tpu.memory_space<vmem_shared>>) target(%arg10 : memref<128x64xf32, #tpu.memory_space<vmem>>) offsets(%dma_start3A_117 : memref<128xi32, #tpu.memory_space<vmem>>) semaphore(%arg18 : memref<!tpu.dma_semaphore, #tpu.memory_space<semaphore_mem>>)
    %scan3A_121 = arith.constant 0 : i32
    %scan3A_122 = arith.constant 0 : i32
    %scan3A_123 = arith.constant 54 : i32
    %scan3A_124 = arith.addi %scan3A_122, %scan3A_123 : i32
    %scan3A_125 = arith.constant 1 : i32
    scf.for %scan3A_138 = %scan3A_122 to %scan3A_124 step %scan3A_125  : i32 {
      %mul3A_139 = arith.constant 3 : i32
      %mul3A_140 = arith.muli %mul3A_139, %scan3A_138 : i32
      %add3A = arith.constant 0 : i32
      %add3A_141 = arith.addi %mul3A_140, %add3A : i32
      %dma_wait3A_142 = arith.constant 0 : i32
      %dma_wait3A_143 = arith.constant 0 : i32
      %dma_wait3A_144 = arith.constant 0 : i32
      %dma_wait3A_145 = tpu.memref_slice %arg7[%dma_wait3A_142, %dma_wait3A_143, %dma_wait3A_144] : memref<2x9x128xi32, #tpu.memory_space<vmem>> -> memref<1x1x128xi32, #tpu.memory_space<vmem>>
      %dma_wait3A_146 = tpu.memref_squeeze %dma_wait3A_145 : memref<1x1x128xi32, #tpu.memory_space<vmem>> -> memref<128xi32, #tpu.memory_space<vmem>>
      %dma_wait3A_147 = arith.constant 0 : i32
      %dma_wait3A_148 = arith.constant 0 : i32
      %dma_wait3A_149 = tpu.memref_slice %arg15[%dma_wait3A_147, %dma_wait3A_148] : memref<10240x64xf32, #tpu.memory_space<vmem_shared>> -> memref<10240x64xf32, #tpu.memory_space<vmem_shared>>
      tpu.wait_indirect_dma semaphore(%arg18 : memref<!tpu.dma_semaphore, #tpu.memory_space<semaphore_mem>>) src(%dma_wait3A_149 : memref<10240x64xf32, #tpu.memory_space<vmem_shared>>) dst(%arg9 : memref<128x64xf32, #tpu.memory_space<vmem>>)
      %div3A_150 = arith.constant 9 : i32
      %div3A_151 = arith.divsi %add3A_141, %div3A_150 : i32
      %rem3A_152 = arith.constant 2 : i32
      %rem3A_153 = arith.remsi %div3A_151, %rem3A_152 : i32
      %rem3A_154 = arith.constant 9 : i32
      %rem3A_155 = arith.remsi %add3A_141, %rem3A_154 : i32
      %dma_start3A_156 = arith.constant 0 : i32
      %dma_start3A_157 = tpu.memref_slice %arg8[%rem3A_153, %rem3A_155, %dma_start3A_156] : memref<2x9x128xi32, #tpu.memory_space<vmem>> -> memref<1x1x128xi32, #tpu.memory_space<vmem>>
      %dma_start3A_158 = tpu.memref_squeeze %dma_start3A_157 : memref<1x1x128xi32, #tpu.memory_space<vmem>> -> memref<128xi32, #tpu.memory_space<vmem>>
      %dma_start3A_159 = arith.constant 0 : i32
      %dma_start3A_160 = arith.constant 0 : i32
      %dma_start3A_161 = tpu.memref_slice %arg16[%dma_start3A_159, %dma_start3A_160] : memref<10240x64xf32, #tpu.memory_space<vmem_shared>> -> memref<10240x64xf32, #tpu.memory_space<vmem_shared>>
      tpu.enqueue_indirect_dma source(%arg9 : memref<128x64xf32, #tpu.memory_space<vmem>>) target(%dma_start3A_161 : memref<10240x64xf32, #tpu.memory_space<vmem_shared>>) offsets(%dma_start3A_158 : memref<128xi32, #tpu.memory_space<vmem>>) semaphore(%arg19 : memref<!tpu.dma_semaphore, #tpu.memory_space<semaphore_mem>>) {add = true}
      %gt3A = arith.constant 0 : i32
      %gt3A_162 = arith.cmpi sgt, %scan3A_138, %gt3A : i32
      %convert_element_type3A_163 = arith.extui %gt3A_162 : i1 to i32
      %cond3A_164 = arith.constant 0 : i32
      %cond3A_165 = arith.cmpi ne, %convert_element_type3A_163, %cond3A_164 : i32
      scf.if %cond3A_165 {
        %dma_wait3A_286 = arith.constant 0 : i32
        %dma_wait3A_287 = arith.constant 0 : i32
        %dma_wait3A_288 = arith.constant 0 : i32
        %dma_wait3A_289 = tpu.memref_slice %arg8[%dma_wait3A_286, %dma_wait3A_287, %dma_wait3A_288] : memref<2x9x128xi32, #tpu.memory_space<vmem>> -> memref<1x1x128xi32, #tpu.memory_space<vmem>>
        %dma_wait3A_290 = tpu.memref_squeeze %dma_wait3A_289 : memref<1x1x128xi32, #tpu.memory_space<vmem>> -> memref<128xi32, #tpu.memory_space<vmem>>
        %dma_wait3A_291 = arith.constant 0 : i32
        %dma_wait3A_292 = arith.constant 0 : i32
        %dma_wait3A_293 = tpu.memref_slice %arg16[%dma_wait3A_291, %dma_wait3A_292] : memref<10240x64xf32, #tpu.memory_space<vmem_shared>> -> memref<10240x64xf32, #tpu.memory_space<vmem_shared>>
        tpu.wait_indirect_dma semaphore(%arg19 : memref<!tpu.dma_semaphore, #tpu.memory_space<semaphore_mem>>) src(%arg11 : memref<128x64xf32, #tpu.memory_space<vmem>>) dst(%dma_wait3A_293 : memref<10240x64xf32, #tpu.memory_space<vmem_shared>>)
      } else {
      }
      %div3A_166 = arith.constant 9 : i32
      %div3A_167 = arith.divsi %add3A_141, %div3A_166 : i32
      %add3A_168 = arith.constant 1 : i32
      %add3A_169 = arith.addi %div3A_167, %add3A_168 : i32
      %rem3A_170 = arith.constant 9 : i32
      %rem3A_171 = arith.remsi %add3A_141, %rem3A_170 : i32
      %eq3A_172 = arith.constant 0 : i32
      %eq3A_173 = arith.cmpi eq, %rem3A_171, %eq3A_172 : i32
      %lt3A = arith.constant 18 : i32
      %lt3A_174 = arith.cmpi slt, %add3A_169, %lt3A : i32
      %and3A = arith.andi %eq3A_173, %lt3A_174 : i1
      %convert_element_type3A_175 = arith.extui %and3A : i1 to i32
      %cond3A_176 = arith.constant 0 : i32
      %cond3A_177 = arith.cmpi ne, %convert_element_type3A_175, %cond3A_176 : i32
      scf.if %cond3A_177 {
        %rem3A_286 = arith.constant 2 : i32
        %rem3A_287 = arith.remsi %add3A_169, %rem3A_286 : i32
        %mul3A_288 = arith.constant 9 : i32
        %mul3A_289 = arith.muli %add3A_169, %mul3A_288 : i32
        %dma_start3A_290 = arith.constant 0 : i32
        %dma_start3A_291 = arith.constant 0 : i32
        %dma_start3A_292 = tpu.memref_slice %arg7[%rem3A_287, %dma_start3A_290, %dma_start3A_291] : memref<2x9x128xi32, #tpu.memory_space<vmem>> -> memref<1x9x128xi32, #tpu.memory_space<vmem>>
        %dma_start3A_293 = tpu.memref_squeeze %dma_start3A_292 : memref<1x9x128xi32, #tpu.memory_space<vmem>> -> memref<9x128xi32, #tpu.memory_space<vmem>>
        %dma_start3A_294 = arith.constant 0 : i32
        %dma_start3A_295 = tpu.memref_slice %arg3[%arg1, %mul3A_289, %dma_start3A_294] : memref<16x162x128xi32, #tpu.memory_space<hbm>> -> memref<1x9x128xi32, #tpu.memory_space<hbm>>
        %dma_start3A_296 = tpu.memref_squeeze %dma_start3A_295 : memref<1x9x128xi32, #tpu.memory_space<hbm>> -> memref<9x128xi32, #tpu.memory_space<hbm>>
        %dma_start3A_297 = arith.constant 0 : i32
        %dma_start3A_298 = arith.constant 0 : i32
        %dma_start3A_299 = tpu.memref_slice %arg7[%rem3A_287, %dma_start3A_297, %dma_start3A_298] : memref<2x9x128xi32, #tpu.memory_space<vmem>> -> memref<1x9x128xi32, #tpu.memory_space<vmem>>
        %dma_start3A_300 = tpu.memref_squeeze %dma_start3A_299 : memref<1x9x128xi32, #tpu.memory_space<vmem>> -> memref<9x128xi32, #tpu.memory_space<vmem>>
        %dma_start3A_301 = arith.constant 0 : i32
        %dma_start3A_302 = tpu.memref_slice %arg3[%arg1, %mul3A_289, %dma_start3A_301] : memref<16x162x128xi32, #tpu.memory_space<hbm>> -> memref<1x9x128xi32, #tpu.memory_space<hbm>>
        %dma_start3A_303 = tpu.memref_squeeze %dma_start3A_302 : memref<1x9x128xi32, #tpu.memory_space<hbm>> -> memref<9x128xi32, #tpu.memory_space<hbm>>
        tpu.enqueue_dma source(%dma_start3A_303 : memref<9x128xi32, #tpu.memory_space<hbm>>) target(%dma_start3A_300 : memref<9x128xi32, #tpu.memory_space<vmem>>) target_semaphore(%arg21 : memref<!tpu.dma_semaphore, #tpu.memory_space<semaphore_mem>>)
        %dma_start3A_304 = arith.constant 0 : i32
        %dma_start3A_305 = arith.constant 0 : i32
        %dma_start3A_306 = tpu.memref_slice %arg8[%rem3A_287, %dma_start3A_304, %dma_start3A_305] : memref<2x9x128xi32, #tpu.memory_space<vmem>> -> memref<1x9x128xi32, #tpu.memory_space<vmem>>
        %dma_start3A_307 = tpu.memref_squeeze %dma_start3A_306 : memref<1x9x128xi32, #tpu.memory_space<vmem>> -> memref<9x128xi32, #tpu.memory_space<vmem>>
        %dma_start3A_308 = arith.constant 0 : i32
        %dma_start3A_309 = tpu.memref_slice %arg4[%arg1, %mul3A_289, %dma_start3A_308] : memref<16x162x128xi32, #tpu.memory_space<hbm>> -> memref<1x9x128xi32, #tpu.memory_space<hbm>>
        %dma_start3A_310 = tpu.memref_squeeze %dma_start3A_309 : memref<1x9x128xi32, #tpu.memory_space<hbm>> -> memref<9x128xi32, #tpu.memory_space<hbm>>
        %dma_start3A_311 = arith.constant 0 : i32
        %dma_start3A_312 = arith.constant 0 : i32
        %dma_start3A_313 = tpu.memref_slice %arg8[%rem3A_287, %dma_start3A_311, %dma_start3A_312] : memref<2x9x128xi32, #tpu.memory_space<vmem>> -> memref<1x9x128xi32, #tpu.memory_space<vmem>>
        %dma_start3A_314 = tpu.memref_squeeze %dma_start3A_313 : memref<1x9x128xi32, #tpu.memory_space<vmem>> -> memref<9x128xi32, #tpu.memory_space<vmem>>
        %dma_start3A_315 = arith.constant 0 : i32
        %dma_start3A_316 = tpu.memref_slice %arg4[%arg1, %mul3A_289, %dma_start3A_315] : memref<16x162x128xi32, #tpu.memory_space<hbm>> -> memref<1x9x128xi32, #tpu.memory_space<hbm>>
        %dma_start3A_317 = tpu.memref_squeeze %dma_start3A_316 : memref<1x9x128xi32, #tpu.memory_space<hbm>> -> memref<9x128xi32, #tpu.memory_space<hbm>>
        tpu.enqueue_dma source(%dma_start3A_317 : memref<9x128xi32, #tpu.memory_space<hbm>>) target(%dma_start3A_314 : memref<9x128xi32, #tpu.memory_space<vmem>>) target_semaphore(%arg21 : memref<!tpu.dma_semaphore, #tpu.memory_space<semaphore_mem>>)
      } else {
      }
      %add3A_178 = arith.constant 2 : i32
      %add3A_179 = arith.addi %add3A_141, %add3A_178 : i32
      %div3A_180 = arith.constant 9 : i32
      %div3A_181 = arith.divsi %add3A_179, %div3A_180 : i32
      %rem3A_182 = arith.constant 2 : i32
      %rem3A_183 = arith.remsi %div3A_181, %rem3A_182 : i32
      %rem3A_184 = arith.constant 9 : i32
      %rem3A_185 = arith.remsi %add3A_179, %rem3A_184 : i32
      %dma_start3A_186 = arith.constant 0 : i32
      %dma_start3A_187 = tpu.memref_slice %arg7[%rem3A_183, %rem3A_185, %dma_start3A_186] : memref<2x9x128xi32, #tpu.memory_space<vmem>> -> memref<1x1x128xi32, #tpu.memory_space<vmem>>
      %dma_start3A_188 = tpu.memref_squeeze %dma_start3A_187 : memref<1x1x128xi32, #tpu.memory_space<vmem>> -> memref<128xi32, #tpu.memory_space<vmem>>
      %dma_start3A_189 = arith.constant 0 : i32
      %dma_start3A_190 = arith.constant 0 : i32
      %dma_start3A_191 = tpu.memref_slice %arg15[%dma_start3A_189, %dma_start3A_190] : memref<10240x64xf32, #tpu.memory_space<vmem_shared>> -> memref<10240x64xf32, #tpu.memory_space<vmem_shared>>
      tpu.enqueue_indirect_dma source(%dma_start3A_191 : memref<10240x64xf32, #tpu.memory_space<vmem_shared>>) target(%arg11 : memref<128x64xf32, #tpu.memory_space<vmem>>) offsets(%dma_start3A_188 : memref<128xi32, #tpu.memory_space<vmem>>) semaphore(%arg18 : memref<!tpu.dma_semaphore, #tpu.memory_space<semaphore_mem>>)
      %add3A_192 = arith.constant 1 : i32
      %add3A_193 = arith.addi %mul3A_140, %add3A_192 : i32
      %dma_wait3A_194 = arith.constant 0 : i32
      %dma_wait3A_195 = arith.constant 0 : i32
      %dma_wait3A_196 = arith.constant 0 : i32
      %dma_wait3A_197 = tpu.memref_slice %arg7[%dma_wait3A_194, %dma_wait3A_195, %dma_wait3A_196] : memref<2x9x128xi32, #tpu.memory_space<vmem>> -> memref<1x1x128xi32, #tpu.memory_space<vmem>>
      %dma_wait3A_198 = tpu.memref_squeeze %dma_wait3A_197 : memref<1x1x128xi32, #tpu.memory_space<vmem>> -> memref<128xi32, #tpu.memory_space<vmem>>
      %dma_wait3A_199 = arith.constant 0 : i32
      %dma_wait3A_200 = arith.constant 0 : i32
      %dma_wait3A_201 = tpu.memref_slice %arg15[%dma_wait3A_199, %dma_wait3A_200] : memref<10240x64xf32, #tpu.memory_space<vmem_shared>> -> memref<10240x64xf32, #tpu.memory_space<vmem_shared>>
      tpu.wait_indirect_dma semaphore(%arg18 : memref<!tpu.dma_semaphore, #tpu.memory_space<semaphore_mem>>) src(%dma_wait3A_201 : memref<10240x64xf32, #tpu.memory_space<vmem_shared>>) dst(%arg10 : memref<128x64xf32, #tpu.memory_space<vmem>>)
      %div3A_202 = arith.constant 9 : i32
      %div3A_203 = arith.divsi %add3A_193, %div3A_202 : i32
      %rem3A_204 = arith.constant 2 : i32
      %rem3A_205 = arith.remsi %div3A_203, %rem3A_204 : i32
      %rem3A_206 = arith.constant 9 : i32
      %rem3A_207 = arith.remsi %add3A_193, %rem3A_206 : i32
      %dma_start3A_208 = arith.constant 0 : i32
      %dma_start3A_209 = tpu.memref_slice %arg8[%rem3A_205, %rem3A_207, %dma_start3A_208] : memref<2x9x128xi32, #tpu.memory_space<vmem>> -> memref<1x1x128xi32, #tpu.memory_space<vmem>>
      %dma_start3A_210 = tpu.memref_squeeze %dma_start3A_209 : memref<1x1x128xi32, #tpu.memory_space<vmem>> -> memref<128xi32, #tpu.memory_space<vmem>>
      %dma_start3A_211 = arith.constant 0 : i32
      %dma_start3A_212 = arith.constant 0 : i32
      %dma_start3A_213 = tpu.memref_slice %arg16[%dma_start3A_211, %dma_start3A_212] : memref<10240x64xf32, #tpu.memory_space<vmem_shared>> -> memref<10240x64xf32, #tpu.memory_space<vmem_shared>>
      tpu.enqueue_indirect_dma source(%arg10 : memref<128x64xf32, #tpu.memory_space<vmem>>) target(%dma_start3A_213 : memref<10240x64xf32, #tpu.memory_space<vmem_shared>>) offsets(%dma_start3A_210 : memref<128xi32, #tpu.memory_space<vmem>>) semaphore(%arg19 : memref<!tpu.dma_semaphore, #tpu.memory_space<semaphore_mem>>) {add = true}
      %dma_wait3A_214 = arith.constant 0 : i32
      %dma_wait3A_215 = arith.constant 0 : i32
      %dma_wait3A_216 = arith.constant 0 : i32
      %dma_wait3A_217 = tpu.memref_slice %arg8[%dma_wait3A_214, %dma_wait3A_215, %dma_wait3A_216] : memref<2x9x128xi32, #tpu.memory_space<vmem>> -> memref<1x1x128xi32, #tpu.memory_space<vmem>>
      %dma_wait3A_218 = tpu.memref_squeeze %dma_wait3A_217 : memref<1x1x128xi32, #tpu.memory_space<vmem>> -> memref<128xi32, #tpu.memory_space<vmem>>
      %dma_wait3A_219 = arith.constant 0 : i32
      %dma_wait3A_220 = arith.constant 0 : i32
      %dma_wait3A_221 = tpu.memref_slice %arg16[%dma_wait3A_219, %dma_wait3A_220] : memref<10240x64xf32, #tpu.memory_space<vmem_shared>> -> memref<10240x64xf32, #tpu.memory_space<vmem_shared>>
      tpu.wait_indirect_dma semaphore(%arg19 : memref<!tpu.dma_semaphore, #tpu.memory_space<semaphore_mem>>) src(%arg9 : memref<128x64xf32, #tpu.memory_space<vmem>>) dst(%dma_wait3A_221 : memref<10240x64xf32, #tpu.memory_space<vmem_shared>>)
      %add3A_222 = arith.constant 2 : i32
      %add3A_223 = arith.addi %add3A_193, %add3A_222 : i32
      %rem3A_224 = arith.constant 9 : i32
      %rem3A_225 = arith.remsi %add3A_223, %rem3A_224 : i32
      %eq3A_226 = arith.constant 0 : i32
      %eq3A_227 = arith.cmpi eq, %rem3A_225, %eq3A_226 : i32
      %lt3A_228 = arith.constant 162 : i32
      %lt3A_229 = arith.cmpi slt, %add3A_223, %lt3A_228 : i32
      %and3A_230 = arith.andi %eq3A_227, %lt3A_229 : i1
      %convert_element_type3A_231 = arith.extui %and3A_230 : i1 to i32
      %cond3A_232 = arith.constant 0 : i32
      %cond3A_233 = arith.cmpi ne, %convert_element_type3A_231, %cond3A_232 : i32
      scf.if %cond3A_233 {
        %dma_wait3A_286 = arith.constant 0 : i32
        %dma_wait3A_287 = arith.constant 0 : i32
        %dma_wait3A_288 = arith.constant 0 : i32
        %dma_wait3A_289 = tpu.memref_slice %arg7[%dma_wait3A_286, %dma_wait3A_287, %dma_wait3A_288] : memref<2x9x128xi32, #tpu.memory_space<vmem>> -> memref<1x9x128xi32, #tpu.memory_space<vmem>>
        %dma_wait3A_290 = tpu.memref_squeeze %dma_wait3A_289 : memref<1x9x128xi32, #tpu.memory_space<vmem>> -> memref<9x128xi32, #tpu.memory_space<vmem>>
        %dma_wait3A_291 = arith.constant 0 : i32
        %dma_wait3A_292 = arith.constant 0 : i32
        %dma_wait3A_293 = tpu.memref_slice %arg3[%arg1, %dma_wait3A_291, %dma_wait3A_292] : memref<16x162x128xi32, #tpu.memory_space<hbm>> -> memref<1x9x128xi32, #tpu.memory_space<hbm>>
        %dma_wait3A_294 = tpu.memref_squeeze %dma_wait3A_293 : memref<1x9x128xi32, #tpu.memory_space<hbm>> -> memref<9x128xi32, #tpu.memory_space<hbm>>
        %dma_wait3A_295 = arith.constant 0 : i32
        %dma_wait3A_296 = arith.constant 0 : i32
        %dma_wait3A_297 = tpu.memref_slice %arg7[%dma_wait3A_286, %dma_wait3A_295, %dma_wait3A_296] : memref<2x9x128xi32, #tpu.memory_space<vmem>> -> memref<1x9x128xi32, #tpu.memory_space<vmem>>
        %dma_wait3A_298 = tpu.memref_squeeze %dma_wait3A_297 : memref<1x9x128xi32, #tpu.memory_space<vmem>> -> memref<9x128xi32, #tpu.memory_space<vmem>>
        %dma_wait3A_299 = arith.constant 0 : i32
        %dma_wait3A_300 = arith.constant 0 : i32
        %dma_wait3A_301 = tpu.memref_slice %arg3[%arg1, %dma_wait3A_299, %dma_wait3A_300] : memref<16x162x128xi32, #tpu.memory_space<hbm>> -> memref<1x9x128xi32, #tpu.memory_space<hbm>>
        %dma_wait3A_302 = tpu.memref_squeeze %dma_wait3A_301 : memref<1x9x128xi32, #tpu.memory_space<hbm>> -> memref<9x128xi32, #tpu.memory_space<hbm>>
        tpu.wait_dma2 semaphore(%arg21 : memref<!tpu.dma_semaphore, #tpu.memory_space<semaphore_mem>>) src(%dma_wait3A_302 : memref<9x128xi32, #tpu.memory_space<hbm>>) dst(%dma_wait3A_298 : memref<9x128xi32, #tpu.memory_space<vmem>>)
        %dma_wait3A_303 = arith.constant 0 : i32
        %dma_wait3A_304 = arith.constant 0 : i32
        %dma_wait3A_305 = arith.constant 0 : i32
        %dma_wait3A_306 = tpu.memref_slice %arg8[%dma_wait3A_303, %dma_wait3A_304, %dma_wait3A_305] : memref<2x9x128xi32, #tpu.memory_space<vmem>> -> memref<1x9x128xi32, #tpu.memory_space<vmem>>
        %dma_wait3A_307 = tpu.memref_squeeze %dma_wait3A_306 : memref<1x9x128xi32, #tpu.memory_space<vmem>> -> memref<9x128xi32, #tpu.memory_space<vmem>>
        %dma_wait3A_308 = arith.constant 0 : i32
        %dma_wait3A_309 = arith.constant 0 : i32
        %dma_wait3A_310 = tpu.memref_slice %arg4[%arg1, %dma_wait3A_308, %dma_wait3A_309] : memref<16x162x128xi32, #tpu.memory_space<hbm>> -> memref<1x9x128xi32, #tpu.memory_space<hbm>>
        %dma_wait3A_311 = tpu.memref_squeeze %dma_wait3A_310 : memref<1x9x128xi32, #tpu.memory_space<hbm>> -> memref<9x128xi32, #tpu.memory_space<hbm>>
        %dma_wait3A_312 = arith.constant 0 : i32
        %dma_wait3A_313 = arith.constant 0 : i32
        %dma_wait3A_314 = tpu.memref_slice %arg8[%dma_wait3A_303, %dma_wait3A_312, %dma_wait3A_313] : memref<2x9x128xi32, #tpu.memory_space<vmem>> -> memref<1x9x128xi32, #tpu.memory_space<vmem>>
        %dma_wait3A_315 = tpu.memref_squeeze %dma_wait3A_314 : memref<1x9x128xi32, #tpu.memory_space<vmem>> -> memref<9x128xi32, #tpu.memory_space<vmem>>
        %dma_wait3A_316 = arith.constant 0 : i32
        %dma_wait3A_317 = arith.constant 0 : i32
        %dma_wait3A_318 = tpu.memref_slice %arg4[%arg1, %dma_wait3A_316, %dma_wait3A_317] : memref<16x162x128xi32, #tpu.memory_space<hbm>> -> memref<1x9x128xi32, #tpu.memory_space<hbm>>
        %dma_wait3A_319 = tpu.memref_squeeze %dma_wait3A_318 : memref<1x9x128xi32, #tpu.memory_space<hbm>> -> memref<9x128xi32, #tpu.memory_space<hbm>>
        tpu.wait_dma2 semaphore(%arg21 : memref<!tpu.dma_semaphore, #tpu.memory_space<semaphore_mem>>) src(%dma_wait3A_319 : memref<9x128xi32, #tpu.memory_space<hbm>>) dst(%dma_wait3A_315 : memref<9x128xi32, #tpu.memory_space<vmem>>)
      } else {
      }
      %lt3A_234 = arith.constant 162 : i32
      %lt3A_235 = arith.cmpi slt, %add3A_223, %lt3A_234 : i32
      %convert_element_type3A_236 = arith.extui %lt3A_235 : i1 to i32
      %cond3A_237 = arith.constant 0 : i32
      %cond3A_238 = arith.cmpi ne, %convert_element_type3A_236, %cond3A_237 : i32
      scf.if %cond3A_238 {
        %div3A_286 = arith.constant 9 : i32
        %div3A_287 = arith.divsi %add3A_223, %div3A_286 : i32
        %rem3A_288 = arith.constant 2 : i32
        %rem3A_289 = arith.remsi %div3A_287, %rem3A_288 : i32
        %rem3A_290 = arith.constant 9 : i32
        %rem3A_291 = arith.remsi %add3A_223, %rem3A_290 : i32
        %dma_start3A_292 = arith.constant 0 : i32
        %dma_start3A_293 = tpu.memref_slice %arg7[%rem3A_289, %rem3A_291, %dma_start3A_292] : memref<2x9x128xi32, #tpu.memory_space<vmem>> -> memref<1x1x128xi32, #tpu.memory_space<vmem>>
        %dma_start3A_294 = tpu.memref_squeeze %dma_start3A_293 : memref<1x1x128xi32, #tpu.memory_space<vmem>> -> memref<128xi32, #tpu.memory_space<vmem>>
        %dma_start3A_295 = arith.constant 0 : i32
        %dma_start3A_296 = arith.constant 0 : i32
        %dma_start3A_297 = tpu.memref_slice %arg15[%dma_start3A_295, %dma_start3A_296] : memref<10240x64xf32, #tpu.memory_space<vmem_shared>> -> memref<10240x64xf32, #tpu.memory_space<vmem_shared>>
        tpu.enqueue_indirect_dma source(%dma_start3A_297 : memref<10240x64xf32, #tpu.memory_space<vmem_shared>>) target(%arg9 : memref<128x64xf32, #tpu.memory_space<vmem>>) offsets(%dma_start3A_294 : memref<128xi32, #tpu.memory_space<vmem>>) semaphore(%arg18 : memref<!tpu.dma_semaphore, #tpu.memory_space<semaphore_mem>>)
      } else {
      }
      %add3A_239 = arith.constant 2 : i32
      %add3A_240 = arith.addi %mul3A_140, %add3A_239 : i32
      %dma_wait3A_241 = arith.constant 0 : i32
      %dma_wait3A_242 = arith.constant 0 : i32
      %dma_wait3A_243 = arith.constant 0 : i32
      %dma_wait3A_244 = tpu.memref_slice %arg7[%dma_wait3A_241, %dma_wait3A_242, %dma_wait3A_243] : memref<2x9x128xi32, #tpu.memory_space<vmem>> -> memref<1x1x128xi32, #tpu.memory_space<vmem>>
      %dma_wait3A_245 = tpu.memref_squeeze %dma_wait3A_244 : memref<1x1x128xi32, #tpu.memory_space<vmem>> -> memref<128xi32, #tpu.memory_space<vmem>>
      %dma_wait3A_246 = arith.constant 0 : i32
      %dma_wait3A_247 = arith.constant 0 : i32
      %dma_wait3A_248 = tpu.memref_slice %arg15[%dma_wait3A_246, %dma_wait3A_247] : memref<10240x64xf32, #tpu.memory_space<vmem_shared>> -> memref<10240x64xf32, #tpu.memory_space<vmem_shared>>
      tpu.wait_indirect_dma semaphore(%arg18 : memref<!tpu.dma_semaphore, #tpu.memory_space<semaphore_mem>>) src(%dma_wait3A_248 : memref<10240x64xf32, #tpu.memory_space<vmem_shared>>) dst(%arg11 : memref<128x64xf32, #tpu.memory_space<vmem>>)
      %div3A_249 = arith.constant 9 : i32
      %div3A_250 = arith.divsi %add3A_240, %div3A_249 : i32
      %rem3A_251 = arith.constant 2 : i32
      %rem3A_252 = arith.remsi %div3A_250, %rem3A_251 : i32
      %rem3A_253 = arith.constant 9 : i32
      %rem3A_254 = arith.remsi %add3A_240, %rem3A_253 : i32
      %dma_start3A_255 = arith.constant 0 : i32
      %dma_start3A_256 = tpu.memref_slice %arg8[%rem3A_252, %rem3A_254, %dma_start3A_255] : memref<2x9x128xi32, #tpu.memory_space<vmem>> -> memref<1x1x128xi32, #tpu.memory_space<vmem>>
      %dma_start3A_257 = tpu.memref_squeeze %dma_start3A_256 : memref<1x1x128xi32, #tpu.memory_space<vmem>> -> memref<128xi32, #tpu.memory_space<vmem>>
      %dma_start3A_258 = arith.constant 0 : i32
      %dma_start3A_259 = arith.constant 0 : i32
      %dma_start3A_260 = tpu.memref_slice %arg16[%dma_start3A_258, %dma_start3A_259] : memref<10240x64xf32, #tpu.memory_space<vmem_shared>> -> memref<10240x64xf32, #tpu.memory_space<vmem_shared>>
      tpu.enqueue_indirect_dma source(%arg11 : memref<128x64xf32, #tpu.memory_space<vmem>>) target(%dma_start3A_260 : memref<10240x64xf32, #tpu.memory_space<vmem_shared>>) offsets(%dma_start3A_257 : memref<128xi32, #tpu.memory_space<vmem>>) semaphore(%arg19 : memref<!tpu.dma_semaphore, #tpu.memory_space<semaphore_mem>>) {add = true}
      %dma_wait3A_261 = arith.constant 0 : i32
      %dma_wait3A_262 = arith.constant 0 : i32
      %dma_wait3A_263 = arith.constant 0 : i32
      %dma_wait3A_264 = tpu.memref_slice %arg8[%dma_wait3A_261, %dma_wait3A_262, %dma_wait3A_263] : memref<2x9x128xi32, #tpu.memory_space<vmem>> -> memref<1x1x128xi32, #tpu.memory_space<vmem>>
      %dma_wait3A_265 = tpu.memref_squeeze %dma_wait3A_264 : memref<1x1x128xi32, #tpu.memory_space<vmem>> -> memref<128xi32, #tpu.memory_space<vmem>>
      %dma_wait3A_266 = arith.constant 0 : i32
      %dma_wait3A_267 = arith.constant 0 : i32
      %dma_wait3A_268 = tpu.memref_slice %arg16[%dma_wait3A_266, %dma_wait3A_267] : memref<10240x64xf32, #tpu.memory_space<vmem_shared>> -> memref<10240x64xf32, #tpu.memory_space<vmem_shared>>
      tpu.wait_indirect_dma semaphore(%arg19 : memref<!tpu.dma_semaphore, #tpu.memory_space<semaphore_mem>>) src(%arg10 : memref<128x64xf32, #tpu.memory_space<vmem>>) dst(%dma_wait3A_268 : memref<10240x64xf32, #tpu.memory_space<vmem_shared>>)
      %add3A_269 = arith.constant 2 : i32
      %add3A_270 = arith.addi %add3A_240, %add3A_269 : i32
      %rem3A_271 = arith.constant 9 : i32
      %rem3A_272 = arith.remsi %add3A_270, %rem3A_271 : i32
      %eq3A_273 = arith.constant 0 : i32
      %eq3A_274 = arith.cmpi eq, %rem3A_272, %eq3A_273 : i32
      %lt3A_275 = arith.constant 162 : i32
      %lt3A_276 = arith.cmpi slt, %add3A_270, %lt3A_275 : i32
      %and3A_277 = arith.andi %eq3A_274, %lt3A_276 : i1
      %convert_element_type3A_278 = arith.extui %and3A_277 : i1 to i32
      %cond3A_279 = arith.constant 0 : i32
      %cond3A_280 = arith.cmpi ne, %convert_element_type3A_278, %cond3A_279 : i32
      scf.if %cond3A_280 {
        %dma_wait3A_286 = arith.constant 0 : i32
        %dma_wait3A_287 = arith.constant 0 : i32
        %dma_wait3A_288 = arith.constant 0 : i32
        %dma_wait3A_289 = tpu.memref_slice %arg7[%dma_wait3A_286, %dma_wait3A_287, %dma_wait3A_288] : memref<2x9x128xi32, #tpu.memory_space<vmem>> -> memref<1x9x128xi32, #tpu.memory_space<vmem>>
        %dma_wait3A_290 = tpu.memref_squeeze %dma_wait3A_289 : memref<1x9x128xi32, #tpu.memory_space<vmem>> -> memref<9x128xi32, #tpu.memory_space<vmem>>
        %dma_wait3A_291 = arith.constant 0 : i32
        %dma_wait3A_292 = arith.constant 0 : i32
        %dma_wait3A_293 = tpu.memref_slice %arg3[%arg1, %dma_wait3A_291, %dma_wait3A_292] : memref<16x162x128xi32, #tpu.memory_space<hbm>> -> memref<1x9x128xi32, #tpu.memory_space<hbm>>
        %dma_wait3A_294 = tpu.memref_squeeze %dma_wait3A_293 : memref<1x9x128xi32, #tpu.memory_space<hbm>> -> memref<9x128xi32, #tpu.memory_space<hbm>>
        %dma_wait3A_295 = arith.constant 0 : i32
        %dma_wait3A_296 = arith.constant 0 : i32
        %dma_wait3A_297 = tpu.memref_slice %arg7[%dma_wait3A_286, %dma_wait3A_295, %dma_wait3A_296] : memref<2x9x128xi32, #tpu.memory_space<vmem>> -> memref<1x9x128xi32, #tpu.memory_space<vmem>>
        %dma_wait3A_298 = tpu.memref_squeeze %dma_wait3A_297 : memref<1x9x128xi32, #tpu.memory_space<vmem>> -> memref<9x128xi32, #tpu.memory_space<vmem>>
        %dma_wait3A_299 = arith.constant 0 : i32
        %dma_wait3A_300 = arith.constant 0 : i32
        %dma_wait3A_301 = tpu.memref_slice %arg3[%arg1, %dma_wait3A_299, %dma_wait3A_300] : memref<16x162x128xi32, #tpu.memory_space<hbm>> -> memref<1x9x128xi32, #tpu.memory_space<hbm>>
        %dma_wait3A_302 = tpu.memref_squeeze %dma_wait3A_301 : memref<1x9x128xi32, #tpu.memory_space<hbm>> -> memref<9x128xi32, #tpu.memory_space<hbm>>
        tpu.wait_dma2 semaphore(%arg21 : memref<!tpu.dma_semaphore, #tpu.memory_space<semaphore_mem>>) src(%dma_wait3A_302 : memref<9x128xi32, #tpu.memory_space<hbm>>) dst(%dma_wait3A_298 : memref<9x128xi32, #tpu.memory_space<vmem>>)
        %dma_wait3A_303 = arith.constant 0 : i32
        %dma_wait3A_304 = arith.constant 0 : i32
        %dma_wait3A_305 = arith.constant 0 : i32
        %dma_wait3A_306 = tpu.memref_slice %arg8[%dma_wait3A_303, %dma_wait3A_304, %dma_wait3A_305] : memref<2x9x128xi32, #tpu.memory_space<vmem>> -> memref<1x9x128xi32, #tpu.memory_space<vmem>>
        %dma_wait3A_307 = tpu.memref_squeeze %dma_wait3A_306 : memref<1x9x128xi32, #tpu.memory_space<vmem>> -> memref<9x128xi32, #tpu.memory_space<vmem>>
        %dma_wait3A_308 = arith.constant 0 : i32
        %dma_wait3A_309 = arith.constant 0 : i32
        %dma_wait3A_310 = tpu.memref_slice %arg4[%arg1, %dma_wait3A_308, %dma_wait3A_309] : memref<16x162x128xi32, #tpu.memory_space<hbm>> -> memref<1x9x128xi32, #tpu.memory_space<hbm>>
        %dma_wait3A_311 = tpu.memref_squeeze %dma_wait3A_310 : memref<1x9x128xi32, #tpu.memory_space<hbm>> -> memref<9x128xi32, #tpu.memory_space<hbm>>
        %dma_wait3A_312 = arith.constant 0 : i32
        %dma_wait3A_313 = arith.constant 0 : i32
        %dma_wait3A_314 = tpu.memref_slice %arg8[%dma_wait3A_303, %dma_wait3A_312, %dma_wait3A_313] : memref<2x9x128xi32, #tpu.memory_space<vmem>> -> memref<1x9x128xi32, #tpu.memory_space<vmem>>
        %dma_wait3A_315 = tpu.memref_squeeze %dma_wait3A_314 : memref<1x9x128xi32, #tpu.memory_space<vmem>> -> memref<9x128xi32, #tpu.memory_space<vmem>>
        %dma_wait3A_316 = arith.constant 0 : i32
        %dma_wait3A_317 = arith.constant 0 : i32
        %dma_wait3A_318 = tpu.memref_slice %arg4[%arg1, %dma_wait3A_316, %dma_wait3A_317] : memref<16x162x128xi32, #tpu.memory_space<hbm>> -> memref<1x9x128xi32, #tpu.memory_space<hbm>>
        %dma_wait3A_319 = tpu.memref_squeeze %dma_wait3A_318 : memref<1x9x128xi32, #tpu.memory_space<hbm>> -> memref<9x128xi32, #tpu.memory_space<hbm>>
        tpu.wait_dma2 semaphore(%arg21 : memref<!tpu.dma_semaphore, #tpu.memory_space<semaphore_mem>>) src(%dma_wait3A_319 : memref<9x128xi32, #tpu.memory_space<hbm>>) dst(%dma_wait3A_315 : memref<9x128xi32, #tpu.memory_space<vmem>>)
      } else {
      }
      %lt3A_281 = arith.constant 162 : i32
      %lt3A_282 = arith.cmpi slt, %add3A_270, %lt3A_281 : i32
      %convert_element_type3A_283 = arith.extui %lt3A_282 : i1 to i32
      %cond3A_284 = arith.constant 0 : i32
      %cond3A_285 = arith.cmpi ne, %convert_element_type3A_283, %cond3A_284 : i32
      scf.if %cond3A_285 {
        %div3A_286 = arith.constant 9 : i32
        %div3A_287 = arith.divsi %add3A_270, %div3A_286 : i32
        %rem3A_288 = arith.constant 2 : i32
        %rem3A_289 = arith.remsi %div3A_287, %rem3A_288 : i32
        %rem3A_290 = arith.constant 9 : i32
        %rem3A_291 = arith.remsi %add3A_270, %rem3A_290 : i32
        %dma_start3A_292 = arith.constant 0 : i32
        %dma_start3A_293 = tpu.memref_slice %arg7[%rem3A_289, %rem3A_291, %dma_start3A_292] : memref<2x9x128xi32, #tpu.memory_space<vmem>> -> memref<1x1x128xi32, #tpu.memory_space<vmem>>
        %dma_start3A_294 = tpu.memref_squeeze %dma_start3A_293 : memref<1x1x128xi32, #tpu.memory_space<vmem>> -> memref<128xi32, #tpu.memory_space<vmem>>
        %dma_start3A_295 = arith.constant 0 : i32
        %dma_start3A_296 = arith.constant 0 : i32
        %dma_start3A_297 = tpu.memref_slice %arg15[%dma_start3A_295, %dma_start3A_296] : memref<10240x64xf32, #tpu.memory_space<vmem_shared>> -> memref<10240x64xf32, #tpu.memory_space<vmem_shared>>
        tpu.enqueue_indirect_dma source(%dma_start3A_297 : memref<10240x64xf32, #tpu.memory_space<vmem_shared>>) target(%arg10 : memref<128x64xf32, #tpu.memory_space<vmem>>) offsets(%dma_start3A_294 : memref<128xi32, #tpu.memory_space<vmem>>) semaphore(%arg18 : memref<!tpu.dma_semaphore, #tpu.memory_space<semaphore_mem>>)
      } else {
      }
    }
    %scan3A_126 = arith.constant 54 : i32
    %dma_wait3A_127 = arith.constant 0 : i32
    %dma_wait3A_128 = arith.constant 0 : i32
    %dma_wait3A_129 = arith.constant 0 : i32
    %dma_wait3A_130 = tpu.memref_slice %arg8[%dma_wait3A_127, %dma_wait3A_128, %dma_wait3A_129] : memref<2x9x128xi32, #tpu.memory_space<vmem>> -> memref<1x1x128xi32, #tpu.memory_space<vmem>>
    %dma_wait3A_131 = tpu.memref_squeeze %dma_wait3A_130 : memref<1x1x128xi32, #tpu.memory_space<vmem>> -> memref<128xi32, #tpu.memory_space<vmem>>
    %dma_wait3A_132 = arith.constant 0 : i32
    %dma_wait3A_133 = arith.constant 0 : i32
    %dma_wait3A_134 = tpu.memref_slice %arg16[%dma_wait3A_132, %dma_wait3A_133] : memref<10240x64xf32, #tpu.memory_space<vmem_shared>> -> memref<10240x64xf32, #tpu.memory_space<vmem_shared>>
    tpu.wait_indirect_dma semaphore(%arg19 : memref<!tpu.dma_semaphore, #tpu.memory_space<semaphore_mem>>) src(%arg11 : memref<128x64xf32, #tpu.memory_space<vmem>>) dst(%dma_wait3A_134 : memref<10240x64xf32, #tpu.memory_space<vmem_shared>>)
    %barrier3A_135 = arith.constant 0 : index
    tpu.barrier barrier_id(%barrier3A_135)
    "tpu.region"() ({
      %run_scoped3A_138 = tpu.sem_alloc : memref<!tpu.dma_semaphore, #tpu.memory_space<semaphore_mem>>
      %dma_start3A_139 = arith.constant 0 : i32
      %dma_start3A_140 = tpu.memref_slice %arg5[%arg0, %mul3A_0, %dma_start3A_139] : memref<2x10240x64xf32, #tpu.memory_space<hbm>> -> memref<1x640x64xf32, #tpu.memory_space<hbm>>
      %dma_start3A_141 = tpu.memref_squeeze %dma_start3A_140 : memref<1x640x64xf32, #tpu.memory_space<hbm>> -> memref<640x64xf32, #tpu.memory_space<hbm>>
      %dma_start3A_142 = arith.constant 0 : i32
      %dma_start3A_143 = tpu.memref_slice %arg16[%mul3A_0, %dma_start3A_142] : memref<10240x64xf32, #tpu.memory_space<vmem_shared>> -> memref<640x64xf32, #tpu.memory_space<vmem_shared>>
      tpu.enqueue_dma source(%dma_start3A_143 : memref<640x64xf32, #tpu.memory_space<vmem_shared>>) target(%dma_start3A_141 : memref<640x64xf32, #tpu.memory_space<hbm>>) target_semaphore(%run_scoped3A_138 : memref<!tpu.dma_semaphore, #tpu.memory_space<semaphore_mem>>)
      %dma_wait3A_144 = arith.constant 0 : i32
      %dma_wait3A_145 = tpu.memref_slice %arg5[%arg0, %mul3A_0, %dma_wait3A_144] : memref<2x10240x64xf32, #tpu.memory_space<hbm>> -> memref<1x640x64xf32, #tpu.memory_space<hbm>>
      %dma_wait3A_146 = tpu.memref_squeeze %dma_wait3A_145 : memref<1x640x64xf32, #tpu.memory_space<hbm>> -> memref<640x64xf32, #tpu.memory_space<hbm>>
      %dma_wait3A_147 = arith.constant 0 : i32
      %dma_wait3A_148 = tpu.memref_slice %arg16[%mul3A_0, %dma_wait3A_147] : memref<10240x64xf32, #tpu.memory_space<vmem_shared>> -> memref<640x64xf32, #tpu.memory_space<vmem_shared>>
      tpu.wait_dma2 semaphore(%run_scoped3A_138 : memref<!tpu.dma_semaphore, #tpu.memory_space<semaphore_mem>>) src(%dma_wait3A_148 : memref<640x64xf32, #tpu.memory_space<vmem_shared>>) dst(%dma_wait3A_146 : memref<640x64xf32, #tpu.memory_space<hbm>>)
      tpu.yield
    }) : () -> ()
    %eq3A = arith.constant 0 : i32
    %eq3A_136 = arith.cmpi eq, %arg0, %eq3A : i32
    %convert_element_type3A = arith.extui %eq3A_136 : i1 to i32
    %cond3A = arith.constant 0 : i32
    %cond3A_137 = arith.cmpi ne, %convert_element_type3A, %cond3A : i32
    scf.if %cond3A_137 {
      "tpu.region"() ({
        %run_scoped3A_138 = tpu.sem_alloc : memref<!tpu.dma_semaphore, #tpu.memory_space<semaphore_mem>>
        %dma_start3A_139 = arith.constant 0 : i32
        %dma_start3A_140 = tpu.memref_slice %arg6[%mul3A_0, %dma_start3A_139] : memref<10240x16xf32, #tpu.memory_space<hbm>> -> memref<640x16xf32, #tpu.memory_space<hbm>>
        %dma_start3A_141 = arith.constant 0 : i32
        %dma_start3A_142 = tpu.memref_slice %arg17[%mul3A_0, %dma_start3A_141] : memref<10240x16xf32, #tpu.memory_space<vmem_shared>> -> memref<640x16xf32, #tpu.memory_space<vmem_shared>>
        tpu.enqueue_dma source(%dma_start3A_142 : memref<640x16xf32, #tpu.memory_space<vmem_shared>>) target(%dma_start3A_140 : memref<640x16xf32, #tpu.memory_space<hbm>>) target_semaphore(%run_scoped3A_138 : memref<!tpu.dma_semaphore, #tpu.memory_space<semaphore_mem>>)
        %dma_wait3A_143 = arith.constant 0 : i32
        %dma_wait3A_144 = tpu.memref_slice %arg6[%mul3A_0, %dma_wait3A_143] : memref<10240x16xf32, #tpu.memory_space<hbm>> -> memref<640x16xf32, #tpu.memory_space<hbm>>
        %dma_wait3A_145 = arith.constant 0 : i32
        %dma_wait3A_146 = tpu.memref_slice %arg17[%mul3A_0, %dma_wait3A_145] : memref<10240x16xf32, #tpu.memory_space<vmem_shared>> -> memref<640x16xf32, #tpu.memory_space<vmem_shared>>
        tpu.wait_dma2 semaphore(%run_scoped3A_138 : memref<!tpu.dma_semaphore, #tpu.memory_space<semaphore_mem>>) src(%dma_wait3A_146 : memref<640x16xf32, #tpu.memory_space<vmem_shared>>) dst(%dma_wait3A_144 : memref<640x16xf32, #tpu.memory_space<hbm>>)
        tpu.yield
      }) : () -> ()
    } else {
    }
    return
  }
}

module attributes {stable_mosaic.version = 14 : i64} {
  func.func @body(%arg0: memref<2x10240x64xf32, #tpu.memory_space<vmem>>, %arg1: memref<10240x16xf32, #tpu.memory_space<vmem>>, %arg2: memref<128x128xf32, #tpu.memory_space<vmem>>, %arg3: memref<128xf32, #tpu.memory_space<vmem>>, %arg4: memref<10000x128xf32, #tpu.memory_space<vmem>>) attributes {dimension_semantics = [], scalar_prefetch = 0 : i64, scratch_operands = 0 : i64, tpu.core_type = #tpu.core_type<tc>} {
    %get3A = arith.constant 0 : index
    %get3A_0 = arith.constant 0 : index
    %get3A_1 = arith.constant 0 : index
    %get3A_2 = vector.load %arg0[%get3A, %get3A_0, %get3A_1] : memref<2x10240x64xf32, #tpu.memory_space<vmem>>, vector<1x10240x64xf32>
    %get3A_3 = vector.shape_cast %get3A_2 : vector<1x10240x64xf32> to vector<10240x64xf32>
    %get3A_4 = arith.constant 1 : index
    %get3A_5 = arith.constant 0 : index
    %get3A_6 = arith.constant 0 : index
    %get3A_7 = vector.load %arg0[%get3A_4, %get3A_5, %get3A_6] : memref<2x10240x64xf32, #tpu.memory_space<vmem>>, vector<1x10240x64xf32>
    %get3A_8 = vector.shape_cast %get3A_7 : vector<1x10240x64xf32> to vector<10240x64xf32>
    %concatenate3A = tpu.concatenate %get3A_3, %get3A_8 in 1 : vector<10240x64xf32>, vector<10240x64xf32> -> vector<10240x128xf32>
    %slice3A = vector.extract_strided_slice %concatenate3A {offsets = [0, 0], sizes = [10000, 128], strides = [1, 1]} : vector<10240x128xf32> to vector<10000x128xf32>
    %get3A_9 = arith.constant 0 : index
    %get3A_10 = arith.constant 0 : index
    %get3A_11 = vector.load %arg1[%get3A_9, %get3A_10] : memref<10240x16xf32, #tpu.memory_space<vmem>>, vector<10000x1xf32>
    %mul3A = vector.broadcast %get3A_11 : vector<10000x1xf32> to vector<10000x128xf32>
    %mul3A_12 = arith.mulf %slice3A, %mul3A : vector<10000x128xf32>
    %get3A_13 = arith.constant 0 : index
    %get3A_14 = arith.constant 0 : index
    %get3A_15 = vector.load %arg2[%get3A_13, %get3A_14] : memref<128x128xf32, #tpu.memory_space<vmem>>, vector<128x128xf32>
    %dot_general3A = arith.constant dense<0.000000e+00> : vector<10000x128xf32>
    %dot_general3A_16 = tpu.matmul %mul3A_12, %get3A_15, %dot_general3A {dimension_numbers = #tpu.dot_dimension_numbers<[1], [1], [0], [0], [0, 0, 1, 0], [], []>, transpose_lhs_hint = false} : vector<10000x128xf32>, vector<128x128xf32>, vector<10000x128xf32> -> vector<10000x128xf32>
    %get3A_17 = arith.constant 0 : index
    %get3A_18 = vector.load %arg3[%get3A_17] : memref<128xf32, #tpu.memory_space<vmem>>, vector<128xf32>
    %broadcast_in_dim3A = vector.shape_cast %get3A_18 : vector<128xf32> to vector<1x128xf32>
    %add3A = vector.broadcast %broadcast_in_dim3A : vector<1x128xf32> to vector<10000x128xf32>
    %add3A_19 = arith.addf %dot_general3A_16, %add3A : vector<10000x128xf32>
    %swap3A = arith.constant 0 : index
    %swap3A_20 = arith.constant 0 : index
    %swap3A_21 = vector.load %arg4[%swap3A, %swap3A_20] : memref<10000x128xf32, #tpu.memory_space<vmem>>, vector<10000x128xf32>
    tpu.vector_store %arg4[%swap3A, %swap3A_20], %add3A_19 {strides = array<i32>} : memref<10000x128xf32, #tpu.memory_space<vmem>>, vector<10000x128xf32>,
    return
  }
}

</mosaic_0001>

<sc_bundles>
// kernel: kernel.4.cloned.1.call-start
scs
__scs_entry_jumppad:
0x0: {  	(pc) =	sbr.rel $0x88, $3  }
0x1: {  	(tag) =	ssettag $0x0;
	lr =	simm.s32 $0x1  }
0x2: {  	[smem:$0x3F9D] =	sst lr;
	_ =	strace $0xD0000000  }
0x3: {  	_ = 	snop  }
0x4: {  	_ = 	snop  }
0x5: {  	_ = 	snop  }
0x6: {  	_ = 	snop  }
0x7: {  	_ = 	snop  }
__scs_overlays_trampoline_lowered:
0x8: {  	[smem:$0x3FAC] =	sst s0  }
0x9: {  	[smem:$0x3FAD] =	sst s1  }
0xa: {  	[smem:$0x3FAE] =	sst s2  }
0xb: {  	[smem:$0x3FAF] =	sst s3  }
0xc: {  	[smem:$0x3FB0] =	sst s4  }
0xd: {  	[smem:$0x3FB1] =	sst s5  }
0xe: {  	[smem:$0x3FB2] =	sst s6  }
0xf: {  	[smem:$0x3FB3] =	sst s7  }
0x10: {  	[smem:$0x3FB4] =	sst s8  }
0x11: {  	[smem:$0x3FB5] =	sst s9;
	s0 =	simm.s32 @!p0 $0x0  }
0x12: {  	s1 =	sld [smem:$0x3F9B];
	s0 =	simm.s32 @p0 $0x1  }
0x13: {  	[smem:$0x3FB6] =	sst s0;
	s0 =	simm.s32 @!p1 $0x0  }
0x14: {  	s2 =	sld [smem:$0x3F9A];
	s0 =	simm.s32 @p1 $0x1  }
0x15: {  	[smem:$0x3FB7] =	sst s0;
	s0 =	simm.s32 @!p2 $0x0  }
0x16: {  	s3 =	sld [smem:$0x3FDB];
	s0 =	simm.s32 @p2 $0x1  }
0x17: {  	s4 =	simm.s32 $0x1BF5;
	[smem:$0x3FB9] =	sst s0  }
0x18: {  	s0 =	sld [smem:$0x3F9C];
	_ =	swait.ge [sflag:s4], $0x0  }
0x19: {  	s7 =	sld [smem:$0x3F9D]  }
0x1a: {  	s8 =	sadd.s32 $0xFFFFE003, lr  }
0x1b: {  	s9 =	sadd.s32 $0xFFFFFEF7, lr;
	s5 =	simm.s32 $0xFFFFFFFF;
	p2 =	slt.u32 s8, $0xFFFFF086  }
0x1c: {  	p1 =	slt.u32 s9, $0xF7A;
	s5 =	simm.s32 @!p2 $0x0  }
0x1d: {  	s5 =	simm.s32 @p1 $0x1;
	p0 =	seq.s32 s7, s2  }
0x1e: {  	s7 =	smul.u32 @!p0 $0xF7A, s2;
	p2 =	seq.s32 @!p0 s5, $0x0  }
0x1f: {  	s9 =	smul.u32 $0xF7A, s1;
	s8 =	simm.s32 @!p0 $0x1BF5;
	p2 =	por !p2, p0  }
0x20: {  	[sflag:s8] =	ssyncset.s32 @!p0 $0xFFFFF086;
	s6 =	sadd.s32 @!p0 s3, s7;
	s7 =	simm.s32 @!p0 $0x108  }
0x21: {  	s3 =	sadd.s32 s3, s9;
	s6 =	sadd.s32 @!p0 $0x88, s6;
	s7 =	simm.s32 @p2 $0x1082  }
0x22: {  	[simem:s7], [sflag:s8] =	dma.local @!p0 [hbm:s6], $0xF7A  }
0x23: {  	s9 =	sor.u32 $0xD0000000, s2;
	s6 =	simm.s32 $0x108;
	_ =	swait.ge @!p0 [sflag:s8], $0x0  }
0x24: {  	s3 =	sadd.s32 $0x88, s3;
	s6 =	simm.s32 @!p1 $0x1082;
	[sflag:s4] =	ssyncset.s32 $0xFFFFF086  }
0x25: {  	[simem:s6], [sflag:s4] =	dma.local [hbm:s3], $0xF7A  }
0x26: {  	[smem:$0x3F9D] =	sst s1;
	(tag) =	ssettag s2;
	_ =	strace s9  }
0x27: {  	s1 =	sld [smem:$0x3FAD]  }
0x28: {  	s2 =	sld [smem:$0x3FAE]  }
0x29: {  	s4 =	sld [smem:$0x3FB0]  }
0x2a: {  	p0 =	seq.s32 s5, $0x0;
	s5 =	sld [smem:$0x3FB1]  }
0x2b: {  	s6 =	sld [smem:$0x3FB2]  }
0x2c: {  	s7 =	sld [smem:$0x3FB3]  }
0x2d: {  	s3 =	simm.s32 $0x108;
	s8 =	sld [smem:$0x3FB4]  }
0x2e: {  	s3 =	simm.s32 @!p0 $0x1082;
	s9 =	sld [smem:$0x3FB5]  }
0x2f: {  	lr =	sadd.s32 s0, s3;
	s0 =	sld [smem:$0x3FAC]  }
0x30: {  	s3 =	sld [smem:$0x3FAF]  }
0x31: {  	[smem:$0x3FB8] =	sst s10  }
0x32: {  	s10 =	sld [smem:$0x3FB6];
	_ =	sdelay $0x3  }
0x33: {  	p0 =	seq.s32 s10, $0x1;
	s10 =	sld [smem:$0x3FB8];
	_ =	sdelay $0x3  }
0x34: {  	[smem:$0x3FB8] =	sst s10  }
0x35: {  	s10 =	sld [smem:$0x3FB7];
	_ =	sdelay $0x3  }
0x36: {  	p1 =	seq.s32 s10, $0x1;
	s10 =	sld [smem:$0x3FB8];
	_ =	sdelay $0x3  }
0x37: {  	[smem:$0x3FB8] =	sst s10  }
0x38: {  	s10 =	sld [smem:$0x3FB9]  }
0x39: {  	_ = 	snop;
	(pc) =	sbr.ind lr, $3  }
0x3a: {  	_ = 	snop  }
0x3b: {  	_ = 	snop  }
0x3c: {  	p2 =	seq.s32 s10, $0x1;
	s10 =	sld [smem:$0x3FB8]  }
0x3d: {  	_ =	shalt  }
0x3e: {  	_ =	shalt  }
0x3f: {  	_ =	shalt  }
0x40: {  	_ =	shalt  }
0x41: {  	_ =	shalt  }
0x42: {  	_ =	shalt  }
0x43: {  	_ =	shalt  }
0x44: {  	_ =	shalt  }
0x45: {  	_ =	shalt  }
0x46: {  	_ =	shalt  }
0x47: {  	_ =	shalt  }
0x48: {  	_ =	shalt  }
0x49: {  	_ =	shalt  }
0x4a: {  	_ =	shalt  }
0x4b: {  	_ =	shalt  }
0x4c: {  	_ =	shalt  }
0x4d: {  	_ =	shalt  }
0x4e: {  	_ =	shalt  }
0x4f: {  	_ =	shalt  }
0x50: {  	_ =	shalt  }
0x51: {  	_ =	shalt  }
0x52: {  	_ =	shalt  }
0x53: {  	_ =	shalt  }
0x54: {  	_ =	shalt  }
0x55: {  	_ =	shalt  }
0x56: {  	_ =	shalt  }
0x57: {  	_ =	shalt  }
0x58: {  	_ =	shalt  }
0x59: {  	_ =	shalt  }
0x5a: {  	_ =	shalt  }
0x5b: {  	_ =	shalt  }
0x5c: {  	_ =	shalt  }
0x5d: {  	_ =	shalt  }
0x5e: {  	_ =	shalt  }
0x5f: {  	_ =	shalt  }
0x60: {  	_ =	shalt  }
0x61: {  	_ =	shalt  }
0x62: {  	_ =	shalt  }
0x63: {  	_ =	shalt  }
0x64: {  	_ =	shalt  }
0x65: {  	_ =	shalt  }
0x66: {  	_ =	shalt  }
0x67: {  	_ =	shalt  }
0x68: {  	_ =	shalt  }
0x69: {  	_ =	shalt  }
0x6a: {  	_ =	shalt  }
0x6b: {  	_ =	shalt  }
0x6c: {  	_ =	shalt  }
0x6d: {  	_ =	shalt  }
0x6e: {  	_ =	shalt  }
0x6f: {  	_ =	shalt  }
0x70: {  	_ =	shalt  }
0x71: {  	_ =	shalt  }
0x72: {  	_ =	shalt  }
0x73: {  	_ =	shalt  }
0x74: {  	_ =	shalt  }
0x75: {  	_ =	shalt  }
0x76: {  	_ =	shalt  }
0x77: {  	_ =	shalt  }
0x78: {  	_ =	shalt  }
0x79: {  	_ =	shalt  }
0x7a: {  	_ =	shalt  }
0x7b: {  	_ =	shalt  }
0x7c: {  	_ =	shalt  }
0x7d: {  	_ =	shalt  }
0x7e: {  	_ =	shalt  }
0x7f: {  	_ =	shalt  }
0x80: {  	_ =	shalt  }
0x81: {  	_ =	shalt  }
0x82: {  	_ =	shalt  }
0x83: {  	_ =	shalt  }
0x84: {  	_ =	shalt  }
0x85: {  	_ =	shalt  }
0x86: {  	_ =	shalt  }
0x87: {  	_ =	shalt  }
.Lfunc_end0:
.L_simem_size_0:
called_computation_lowered:
.L_overlay_start_0:
0x88: {  	s2 =	sld [smem:$0x3FD9]  }
0x89: {  	s3 =	sld [smem:$0x3FFE];
	_ =	sdelay $0x1  }
0x8a: {  	s1 =	srdreg.scid  }
0x8b: {  	s0 =	sand.u32 $0x1, s1  }
0x8c: {  	s17 =	sshll.u32 s0, $0xA;
	s2 =	sadd.s32 s3, s2  }
0x8d: {  	s2 =	sadd.s32 s2, s17  }
0x8e: {  	[smem:$0x3FC4] =	sst s2  }
0x8f: {  	_ = 	snop  }
0x90: {  	s2 =	sld [smem:$0x3FD0];
	(tm) =	ssettm $0x1  }
0x91: {  	s18 =	sld [smem:$0x3FFB];
	_ =	sdelay $0x3  }
0x92: {  	_ =	strace s18  }
0x93: {  	s3 =	sld [smem:$0x3FFC];
	_ =	sdelay $0x3  }
0x94: {  	_ =	strace s3  }
0x95: {  	s3 =	sld [smem:$0x3FFD];
	_ =	sdelay $0x3  }
0x96: {  	_ =	strace s3  }
0x97: {  	_ =	strace $0x8FFFFFFF  }
0x98: {  	s19 =	sld [smem:$0x3FDB];
	_ =	sdelay $0x1  }
0x99: {  	s4 =	simm.s32 $_scs_section_size  }
0x9a: {  	s5 =	simm.s32 $_size__tile_overlayer_lowered;
	s6 =	simm.s32 $_tile_overlayer_lowered  }
0x9b: {  	s22 =	simm.s32 $0x1BFF;
	s21 =	sshll.u32 s6, $0x1;
	s3 =	sadd.s32 s4, s19  }
0x9c: {  	s7 =	simm.s32 $0x0;
	s20 =	sshll.u32 s5, $0x1;
	s5 =	sadd.s32 s21, s3  }
0x9d: {  	[timem:s7], [sflag:s22] =	dma.local [hbm:s5], s20  }
0x9e: {  	_ =	swait.ge [sflag:s22], s20  }
0x9f: {  	s4 =	ssub.s32 $0x0, s20;
	[sflag:s22] =	ssyncset.done $0x0  }
0xa0: {  	[sflag:s22] =	ssyncadd.s32 s4;
	_ =	sdelay $0x1  }
0xa1: {  	s23 =	simm.s32 $0x1B8B  }
0xa2: {  	_ =	swait.ge [sflag:s23], $0x1  }
0xa3: {  	[sflag:s23] =	ssyncset.done $0x0  }
0xa4: {  	s25 =	simm.s32 $0x1B8E;
	s24 =	sld [smem:$0x3FFE];
	[sflag:s23] =	ssyncadd.s32 $0xFFFFFFFF  }
0xa5: {  	s26 =	simm.s32 $execute0_lowered;
	[smem:$0x3FD2] =	sst s25  }
0xa6: {  	s5 =	sshll.u32 s26, $0x1;
	_ =	strace $0x80000046;
	[dreg:$0x1] =	wrdreg $0xFFFFFFFF  }
0xa7: {  	s28 =	simm.s32 $_size_execute0_lowered;
	s3 =	sadd.s32 s3, s5;
	[dreg:$0x0] =	wrdreg $0x0  }
0xa8: {  	s5 =	sshll.u32 s28, $0x1;
	[dreg:$0x2] =	wrdreg s3  }
0xa9: {  	[dreg:$0x3] =	wrdreg s5  }
0xaa: {  	[dreg:$0x4] =	wrdreg $0xC0  }
0xab: {  	_ =	task [dreg:s7], $0x5FFFF  }
0xac: {  	[dreg:$0x1] =	wrdreg $0xFFFFFFFF  }
0xad: {  	[dreg:$0x0] =	wrdreg $0x60  }
0xae: {  	[dreg:$0x2] =	wrdreg s24  }
0xaf: {  	[dreg:$0x3] =	wrdreg s2  }
0xb0: {  	[dreg:$0x4] =	wrdreg $0x1CE000  }
0xb1: {  	[dreg:$0x5] =	wrdreg $0x8E000  }
0xb2: {  	[dreg:$0x6] =	wrdreg $0x12E000  }
0xb3: {  	[dreg:$0x7] =	wrdreg $0x9  }
0xb4: {  	_ =	task.clear_ibuf [dreg:s7], $0x8FFFF;
	_ =	strace $0x90000046  }
0xb5: {  	s29 =	simm.s32 $0x9;
	_ =	strace $0x80000048  }
0xb6: {  	_ =	swait.ge [sflag:s29], $0x1  }
0xb7: {  	[sflag:s29] =	ssyncadd.s32 $0xFFFFFFFF  }
0xb8: {  	_ =	strace $0x90000048  }
0xb9: {  	_ =	sfence  }
0xba: {  	s30 =	sld [smem:$0x0];
	_ =	sdelay $0x2  }
0xbb: {  	s31 =	sshll.u32 s1, $0xD;
	s1 =	sshrl.u32 s1, $0x2  }
0xbc: {  	s3 =	sand.u32 $0x4000, s31;
	s1 =	sadd.s32 s1, s30  }
0xbd: {  	s0 =	sor.u32 s3, s0;
	s1 =	sshll.u32 s1, $0x11  }
0xbe: {  	s0 =	sor.u32 s1, s0  }
0xbf: {  	s0 =	sadd.s32 $0x8F2B, s0  }
0xc0: {  	[sflag:s0] =	ssyncadd.remote.s32 $0x1  }
0xc1: {  	_ =	sfence.sel $0xFFFF  }
0xc2: {  	[dreg:$0x0] =	wrdreg $0xFFFFFFFF;
	(pc) =	sbr.abs _section_cstart, $3  }
0xc3: {  	[dreg:$0x1] =	wrdreg $0xFFFFFFFF  }
0xc4: {  	_ =	task.clear_ibuf [dreg:s7], $0x2FFFF;
	_ =	strace $0x9FFFFFFF  }
0xc5: {  	(tm) =	ssettm $0x7FFFFFFF  }
tec
execute0_lowered:
.L_overlay_start_1:
0x0: {  	(tag) =	ssettag $0x1  }
0x1: {  	s0 =	rddreg [dreg:$0x0]  }
0x2: {  	s1 =	rddreg [dreg:$0x1]  }
0x3: {  	s3 =	rddreg [dreg:$0x2]  }
0x4: {  	s4 =	rddreg [dreg:$0x3]  }
0x5: {  	s5 =	rddreg [dreg:$0x4]  }
0x6: {  	s17 =	stileid.u32;
	s2 =	srdreg.scid  }
0x7: {  	s6 =	simm.s32 $0x0;
	s30 =	simm.s32 $0x8200;
	s8 =	smul.u32 $0x14000, s17  }
0x8: {  	s31 =	simm.s32 $0x5;
	s2 =	sand.u32 $0x1, s2;
	s7 =	smul.u32 $0xA000, s17  }
0x9: {  	[smem:$0x7FF] =	sst s6;
	s11 =	smul.u32 $0x2800, s17;
	s9 =	sshll.u32 s2, $0x6  }
0xa: {  	s10 =	smul.u32 $0xA0000, s2;
	_ =	strace $0x80000047;
	s14 =	ssub.s32 $0x2, s2  }
0xb: {  	p0 =	sne.s32 s2, $0x0;
	s8 =	sor.u32 s9, s8;
	s26 =	sshrl.u32 s11, $0x3  }
0xc: {  	s15 =	sshrl.u32 s14, $0x1;
	s16 =	sshrl.u32 s7, $0x2;
	s28 =	sadd.s32 s7, s4  }
0xd: {  	s8 =	sshrl.u32 s8, $0x3;
	s25 =	sadd.s32 s7, s10;
	s14 =	ssub.s32 s14, s15  }
0xe: {  	s10 =	sadd.s32 s16, s3;
	s24 =	sshrl.u32 s28, $0x3;
	s15 =	simm.s32 $0x3  }
0xf: {  	s12 =	sadd.s32 s8, s0;
	s18 =	sadd.s32 $0x400, s10;
	[dreg:$0x11] =	wrdreg s24  }
0x10: {  	s8 =	sadd.s32 $0x800, s0;
	s19 =	sadd.s32 $0x800, s10;
	[dreg:$0xb] =	wrdreg s18  }
0x11: {  	s9 =	sshrl.u32 s25, $0x3;
	s20 =	sadd.s32 $0xC00, s10;
	[dreg:$0xc] =	wrdreg s19  }
0x12: {  	s21 =	sadd.s32 $0x1000, s10;
	s22 =	sadd.s32 $0x1400, s10;
	[dreg:$0xd] =	wrdreg s20  }
0x13: {  	s23 =	sadd.s32 $0x1800, s10;
	s28 =	sadd.s32 $0x2000, s10;
	[dreg:$0xe] =	wrdreg s21  }
0x14: {  	s13 =	sadd.s32 s9, s0;
	s9 =	smul.u32 $0x5100, s17;
	[dreg:$0xf] =	wrdreg s22  }
0x15: {  	s0 =	sadd.s32 s26, s0;
	s12 =	sadd.s32 $0xAA00, s12;
	[dreg:$0x10] =	wrdreg s23  }
0x16: {  	s17 =	smax.u32 s14, $0x1;
	s26 =	sadd.s32 $0x1C00, s10;
	[dreg:$0x15] =	wrdreg s28  }
0x17: {  	s14 =	simm.s32 $0x8600;
	s18 =	simm.s32 $0x3200;
	[dreg:$0x6] =	wrdreg s12  }
0x18: {  	s19 =	simm.s32 $0x5200;
	s20 =	simm.s32 $0x2;
	[dreg:$0xa] =	wrdreg s17  }
0x19: {  	s21 =	simm.s32 $0x4;
	s13 =	sadd.s32 $0x32A00, s13;
	[dreg:$0x14] =	wrdreg s26  }
0x1a: {  	s22 =	simm.s32 $0x0;
	s0 =	sadd.s32 $0x5AA00, s0;
	[dreg:$0x8] =	wrdreg s13  }
0x1b: {  	s17 =	simm.s32 $0x1200;
	s29 =	sshrl.u32 s9, $0x3;
	[dreg:$0x9] =	wrdreg s0  }
.Ltmp0:
0x1c: {  	s0 =	sadd.s32 s11, s3;
	s16 =	sadd.s32 s1, s29;
	(pc) =	sbr.rel .LBB2_1-.Ltmp0, $4  }
0x1d: {  	s12 =	sadd.s32 s8, s29;
	s0 =	sshrl.u32 @!p0 s0, $0x3;
	[dreg:$0x7] =	wrdreg s16  }
0x1e: {  	s29 =	sadd.s32 $0x2400, s10;
	s16 =	sadd.s32 s7, s5;
	[dreg:$0x13] =	wrdreg s0  }
0x1f: {  	s11 =	simm.s32 $0x80;
	[dreg:$0x16] =	wrdreg s29;
	s25 =	sshrl.u32 s16, $0x3  }
0x20: {  	v0 =	vimm.f32 $0.0e+00;
	v1 =	vimm.f32 $1.000000000e+00;
	s0 =	simm.s32 $0x1;
	s16 =	simm.s32 $0x7200;
	[dreg:$0x12] =	wrdreg s25  }
.LBB2_38:
0x21: {  	_ =	swait.ge [sflag:s20], $0x2000  }
0x22: {  	[sflag:s20] =	ssyncset.done $0x0  }
0x23: {  	[sflag:s20] =	ssyncadd.s32 $0xFFFFE000  }
0x24: {  	[bflag:$0x0] =	sbarrier.arrive $0xFFFF  }
0x25: {  	s2 =	rddreg [dreg:$0x8]  }
0x26: {  	s13 =	rddreg [dreg:$0x12]  }
0x27: {  	[hbm:s2], [sflag:s23] =	dma.local [spmem:s13], $0x1400  }
0x28: {  	_ =	swait.ge [sflag:s31], $0x1400  }
0x29: {  	[sflag:s31] =	ssyncset.done $0x0;
	s2 =	rddreg [dreg:$0x9]  }
0x2a: {  	s13 =	rddreg [dreg:$0x13];
	[sflag:s31] =	ssyncadd.s32 $0xFFFFEC00  }
0x2b: {  	[hbm:s2], [sflag:s23] =	dma.local @!p0 [spmem:s13], $0x500  }
0x2c: {  	s2 =	simm.s32 @!p0 $0x5  }
0x2d: {  	_ =	swait.ge @!p0 [sflag:s2], $0x500  }
0x2e: {  	s22 =	sadd.s32 $0x1, s22;
	s29 =	rddreg [dreg:$0xa]  }
0x2f: {  	p1 =	sne.s32 s22, s29  }
.Ltmp1:
0x30: {  	_ = 	snop;
	(pc) =	sbr.rel @!p1 .LBB2_39-.Ltmp1, $3  }
0x31: {  	_ =	sdelay $0x1  }
0x32: {  	[sflag:s2] =	ssyncset.done @!p0 $0x0  }
0x33: {  	[sflag:s2] =	ssyncadd.s32 @!p0 $0xFFFFFB00  }
.LBB2_1:
0x34: {  	s2 =	simm.s32 $0x0  }
.LBB2_2:
0x35: {  	p1 =	sne.s32 s2, $0xFC0  }
.Ltmp2:
0x36: {  	_ = 	snop;
	(pc) =	sbr.rel @p1 .LBB2_2-.Ltmp2, $3  }
0x37: {  	_ =	sdelay $0x1  }
0x38: {  	s13 =	sshra.s32 s2, $0x2  }
0x39: {  	s2 =	sadd.s32 $0x40, s2;
	[tilespmem:s13+$0x8200] =	vst v0  }
0x3a: {  	s2 =	simm.s32 $0x40;
	s13 =	simm.s32 $0x0  }
.LBB2_4:
0x3b: {  	p1 =	sne.s32 s2, $0x1FC0;
	[tilespmem:s13+$0x8600] =	vst v1;
	s13 =	smov.u32 s2;
	s2 =	sadd.s32 $0x40, s2  }
.Ltmp3:
0x3c: {  	(pc) =	sbr.rel @p1 .LBB2_4-.Ltmp3, $2  }
0x3d: {  	_ =	sdelay $0x2  }
0x3e: {  	s13 =	sshra.s32 s13, $0x2  }
0x3f: {  	[tilespmem:s13+$0x8600] =	vst v1  }
0x40: {  	[spmem:s10] =	stream.linear.scatter [tilespmem:s30], [sflag:$0x5], $0x400, $0x38;
	[tilespmem:$0x1F600] =	vst v63  }
0x41: {  	_ =	swait.ge [sflag:s31], $0x400  }
0x42: {  	[sflag:s31] =	ssyncset.done $0x0  }
0x43: {  	s2 =	rddreg [dreg:$0xb];
	[sflag:s31] =	ssyncadd.s32 $0xFFFFFC00  }
0x44: {  	[spmem:s2] =	stream.linear.scatter [tilespmem:s30], [sflag:$0x5], $0x400, $0x38;
	[tilespmem:$0x1F600] =	vst v63  }
0x45: {  	_ =	swait.ge [sflag:s31], $0x400  }
0x46: {  	[sflag:s31] =	ssyncset.done $0x0  }
0x47: {  	s24 =	rddreg [dreg:$0xc];
	[sflag:s31] =	ssyncadd.s32 $0xFFFFFC00  }
0x48: {  	[spmem:s24] =	stream.linear.scatter [tilespmem:s30], [sflag:$0x5], $0x400, $0x38;
	[tilespmem:$0x1F600] =	vst v63  }
0x49: {  	_ =	swait.ge [sflag:s31], $0x400  }
0x4a: {  	[sflag:s31] =	ssyncset.done $0x0  }
0x4b: {  	s25 =	rddreg [dreg:$0xd];
	[sflag:s31] =	ssyncadd.s32 $0xFFFFFC00  }
0x4c: {  	[spmem:s25] =	stream.linear.scatter [tilespmem:s30], [sflag:$0x5], $0x400, $0x38;
	[tilespmem:$0x1F600] =	vst v63  }
0x4d: {  	_ =	swait.ge [sflag:s31], $0x400  }
0x4e: {  	[sflag:s31] =	ssyncset.done $0x0  }
0x4f: {  	s26 =	rddreg [dreg:$0xe];
	[sflag:s31] =	ssyncadd.s32 $0xFFFFFC00  }
0x50: {  	[spmem:s26] =	stream.linear.scatter [tilespmem:s30], [sflag:$0x5], $0x400, $0x38;
	[tilespmem:$0x1F600] =	vst v63  }
0x51: {  	_ =	swait.ge [sflag:s31], $0x400  }
0x52: {  	[sflag:s31] =	ssyncset.done $0x0  }
0x53: {  	s28 =	rddreg [dreg:$0xf];
	[sflag:s31] =	ssyncadd.s32 $0xFFFFFC00  }
0x54: {  	[spmem:s28] =	stream.linear.scatter [tilespmem:s30], [sflag:$0x5], $0x400, $0x38;
	[tilespmem:$0x1F600] =	vst v63  }
0x55: {  	_ =	swait.ge [sflag:s31], $0x400  }
0x56: {  	[sflag:s31] =	ssyncset.done $0x0  }
0x57: {  	s29 =	rddreg [dreg:$0x10];
	[sflag:s31] =	ssyncadd.s32 $0xFFFFFC00  }
0x58: {  	[spmem:s29] =	stream.linear.scatter [tilespmem:s30], [sflag:$0x5], $0x400, $0x38;
	[tilespmem:$0x1F600] =	vst v63  }
0x59: {  	_ =	swait.ge [sflag:s31], $0x400  }
0x5a: {  	[sflag:s31] =	ssyncset.done $0x0  }
0x5b: {  	s13 =	rddreg [dreg:$0x14];
	[sflag:s31] =	ssyncadd.s32 $0xFFFFFC00  }
0x5c: {  	[spmem:s13] =	stream.linear.scatter [tilespmem:s30], [sflag:$0x5], $0x400, $0x38;
	[tilespmem:$0x1F600] =	vst v63  }
0x5d: {  	_ =	swait.ge [sflag:s31], $0x400  }
0x5e: {  	[sflag:s31] =	ssyncset.done $0x0  }
0x5f: {  	s23 =	rddreg [dreg:$0x15];
	[sflag:s31] =	ssyncadd.s32 $0xFFFFFC00  }
0x60: {  	[spmem:s23] =	stream.linear.scatter [tilespmem:s30], [sflag:$0x5], $0x400, $0x38;
	[tilespmem:$0x1F600] =	vst v63  }
0x61: {  	_ =	swait.ge [sflag:s31], $0x400  }
0x62: {  	[sflag:s31] =	ssyncset.done $0x0  }
0x63: {  	s25 =	stileid.u32;
	s24 =	rddreg [dreg:$0x16];
	[sflag:s31] =	ssyncadd.s32 $0xFFFFFC00  }
0x64: {  	[spmem:s24] =	stream.linear.scatter [tilespmem:s30], [sflag:$0x5], $0x400, $0x38;
	[tilespmem:$0x1F600] =	vst v63  }
0x65: {  	s2 =	sshll.u32 s25, $0x6;
	s25 =	simm.s32 $0x10;
	_ =	swait.ge [sflag:s31], $0x400  }
0x66: {  	s23 =	sor.u32 $0x1C05, s2;
	[sflag:s31] =	ssyncset.done $0x0;
	s26 =	rddreg [dreg:$0x6]  }
0x67: {  	s24 =	simm.s32 $0x8;
	s28 =	rddreg [dreg:$0x11];
	[sflag:s31] =	ssyncadd.s32 $0xFFFFFC00  }
0x68: {  	[spmem:s28@s24], [sflag:s23] =	dma.strided [hbm:s26@s25], $0x1400, s0, $0x8   }
0x69: {  	_ =	swait.ge [sflag:s31], $0x1400  }
0x6a: {  	[sflag:s31] =	ssyncset.done $0x0  }
0x6b: {  	s29 =	simm.s32 $0x900;
	[sflag:s31] =	ssyncadd.s32 $0xFFFFEC00  }
.Ltmp4:
0x6c: {  	s2 =	simm.s32 $0x0;
	[bflag:$0x0] =	sbarrier.arrive $0xFFFF;
	(pc) =	sbr.rel .LBB2_6-.Ltmp4, $4  }
0x6d: {  	[tilespmem:s29], [sflag:$0x5] =	stream.linear.gather [hbm4b:s12+s2], $0x480, $0x38;
	[tilespmem:$0x1F600] =	vst v63  }
0x6e: {  	_ =	swait.ge [sflag:s31], $0x480  }
0x6f: {  	[sflag:s31] =	ssyncset.done $0x0  }
0x70: {  	[sflag:s31] =	ssyncadd.s32 $0xFFFFFB80  }
.LBB2_8:
0x71: {  	s2 =	sand.u32 $0x1, s2  }
0x72: {  	p1 =	seq.s32 s2, $0x1;
	s2 =	simm.s32 $0x480  }
0x73: {  	s2 =	simm.s32 @!p1 $0x0  }
0x74: {  	s13 =	sor.u32 $0x900, s2  }
0x75: {  	[spmem:s3] =	stream.indirect.scatter.add.f32 [tilespmem:s14], [sflag:$0x3], $0x10, s13, s11, $0xb8;
	[tilespmem:$0x1F600] =	vst v63  }
0x76: {  	s26 =	sadd.s32 $0x980, s2  }
0x77: {  	[spmem:s3] =	stream.indirect.scatter.add.f32 [tilespmem:s14], [sflag:$0x3], $0x10, s26, s11, $0xb8;
	[tilespmem:$0x1F600] =	vst v63  }
0x78: {  	s28 =	sor.u32 $0xA00, s2  }
0x79: {  	[spmem:s3] =	stream.indirect.scatter.add.f32 [tilespmem:s14], [sflag:$0x3], $0x10, s28, s11, $0xb8;
	[tilespmem:$0x1F600] =	vst v63  }
0x7a: {  	s29 =	sadd.s32 $0xA80, s2  }
0x7b: {  	[spmem:s3] =	stream.indirect.scatter.add.f32 [tilespmem:s14], [sflag:$0x3], $0x10, s29, s11, $0xb8;
	[tilespmem:$0x1F600] =	vst v63  }
0x7c: {  	s25 =	sor.u32 $0xB00, s2  }
0x7d: {  	[spmem:s3] =	stream.indirect.scatter.add.f32 [tilespmem:s14], [sflag:$0x3], $0x10, s25, s11, $0xb8;
	[tilespmem:$0x1F600] =	vst v63  }
0x7e: {  	s26 =	sadd.s32 $0xB80, s2  }
0x7f: {  	[spmem:s3] =	stream.indirect.scatter.add.f32 [tilespmem:s14], [sflag:$0x3], $0x10, s26, s11, $0xb8;
	[tilespmem:$0x1F600] =	vst v63  }
0x80: {  	s28 =	sadd.s32 $0xC00, s2  }
0x81: {  	[spmem:s3] =	stream.indirect.scatter.add.f32 [tilespmem:s14], [sflag:$0x3], $0x10, s28, s11, $0xb8;
	[tilespmem:$0x1F600] =	vst v63  }
0x82: {  	s29 =	sadd.s32 $0xC80, s2  }
0x83: {  	[spmem:s3] =	stream.indirect.scatter.add.f32 [tilespmem:s14], [sflag:$0x3], $0x10, s29, s11, $0xb8;
	[tilespmem:$0x1F600] =	vst v63  }
0x84: {  	s2 =	sadd.s32 $0xD00, s2  }
0x85: {  	[spmem:s3] =	stream.indirect.scatter.add.f32 [tilespmem:s14], [sflag:$0x3], $0x10, s2, s11, $0xb8;
	[tilespmem:$0x1F600] =	vst v63  }
0x86: {  	_ =	swait.ge [sflag:s15], $0x800  }
0x87: {  	[sflag:s15] =	ssyncset.done $0x0  }
0x88: {  	[sflag:s15] =	ssyncadd.s32 $0xFFFFF800  }
0x89: {  	_ =	swait.ge [sflag:s15], $0x800  }
0x8a: {  	[sflag:s15] =	ssyncset.done $0x0  }
0x8b: {  	[sflag:s15] =	ssyncadd.s32 $0xFFFFF800  }
0x8c: {  	_ =	swait.ge [sflag:s15], $0x800  }
0x8d: {  	[sflag:s15] =	ssyncset.done $0x0  }
0x8e: {  	[sflag:s15] =	ssyncadd.s32 $0xFFFFF800  }
0x8f: {  	_ =	swait.ge [sflag:s15], $0x800  }
0x90: {  	[sflag:s15] =	ssyncset.done $0x0  }
0x91: {  	[sflag:s15] =	ssyncadd.s32 $0xFFFFF800  }
0x92: {  	_ =	swait.ge [sflag:s15], $0x800  }
0x93: {  	[sflag:s15] =	ssyncset.done $0x0  }
0x94: {  	[sflag:s15] =	ssyncadd.s32 $0xFFFFF800  }
0x95: {  	_ =	swait.ge [sflag:s15], $0x800  }
0x96: {  	[sflag:s15] =	ssyncset.done $0x0  }
0x97: {  	[sflag:s15] =	ssyncadd.s32 $0xFFFFF800  }
0x98: {  	_ =	swait.ge [sflag:s15], $0x800  }
0x99: {  	[sflag:s15] =	ssyncset.done $0x0  }
0x9a: {  	[sflag:s15] =	ssyncadd.s32 $0xFFFFF800  }
0x9b: {  	p1 =	slt.u32 s24, $0x12;
	_ =	swait.ge [sflag:s15], $0x800  }
.Ltmp5:
0x9c: {  	[sflag:s15] =	ssyncset.done $0x0;
	(pc) =	sbr.rel @!p1 .LBB2_9-.Ltmp5, $4  }
0x9d: {  	[sflag:s15] =	ssyncadd.s32 $0xFFFFF800  }
0x9e: {  	_ =	swait.ge [sflag:s15], $0x800  }
0x9f: {  	[sflag:s15] =	ssyncset.done $0x0  }
0xa0: {  	s2 =	smov.u32 s24;
	[sflag:s15] =	ssyncadd.s32 $0xFFFFF800  }
.LBB2_6:
0xa1: {  	p1 =	seq.s32 s2, $0x0  }
0xa2: {  	p2 =	seq.s32 @!p1 s2, $0x11  }
0xa3: {  	p2 =	por p1, !p2  }
.Ltmp6:
0xa4: {  	_ = 	snop;
	(pc) =	sbr.rel @!p2 .LBB2_8-.Ltmp6, $4  }
0xa5: {  	s13 =	simm.s32 @!p1 $0x4  }
0xa6: {  	_ =	swait.ge @!p1 [sflag:s13], $0x480  }
0xa7: {  	[sflag:s13] =	ssyncset.done @!p1 $0x0  }
0xa8: {  	s24 =	simm.s32 @!p1 $0x12;
	[sflag:s13] =	ssyncadd.s32 @!p1 $0xFFFFFB80  }
0xa9: {  	s24 =	sadd.s32 @!p1 $0x1, s2  }
0xaa: {  	s24 =	simm.s32 @p1 $0x1  }
0xab: {  	s13 =	smul.u32 $0x480, s24  }
.Ltmp7:
0xac: {  	_ = 	snop;
	(pc) =	sbr.rel .LBB2_8-.Ltmp7, $4  }
0xad: {  	s25 =	sand.u32 $0x1, s24;
	s13 =	sadd.s32 s9, s13  }
0xae: {  	p1 =	seq.s32 s25, $0x1;
	s25 =	simm.s32 $0xD80;
	s13 =	sshrl.u32 s13, $0x3  }
0xaf: {  	s25 =	simm.s32 @!p1 $0x900;
	s13 =	sadd.s32 s8, s13  }
0xb0: {  	[tilespmem:s25], [sflag:$0x4] =	stream.linear.gather [hbm4b:s13+s6], $0x480, $0x38;
	[tilespmem:$0x1F600] =	vst v63  }
.LBB2_9:
0xb1: {  	[bflag:$0x0] =	sbarrier.arrive $0xFFFF;
	s24 =	simm.s32 $0x0  }
.LBB2_10:
0xb2: {  	s2 =	sshll.u32 s24, $0xA  }
0xb3: {  	s2 =	sand.u32 $0x3FFFFC00, s2  }
0xb4: {  	s25 =	sadd.s32 s2, s10  }
0xb5: {  	[tilespmem:s30], [sflag:$0x5] =	stream.linear.gather [spmem:s25], $0x400, $0x38;
	[tilespmem:$0x1F600] =	vst v63  }
0xb6: {  	_ =	swait.ge [sflag:s31], $0x400  }
0xb7: {  	[sflag:s31] =	ssyncset.done $0x0  }
0xb8: {  	s26 =	simm.s32 $0x0;
	s28 =	simm.s32 $0x40;
	[sflag:s31] =	ssyncadd.s32 $0xFFFFFC00  }
.LBB2_11:
0xb9: {  	p1 =	sne.s32 s28, $0xFC0;
	v2 =	vld [tilespmem:s26+$0x8200];
	_ =	sdelay $0x4  }
0xba: {  	v2 =	vadd.f32 $1.000000000e+00, v2;
	_ =	sdelay $0x1  }
0xbb: {  	v3 =	vshra.s32 v2, $0x1;
	v2 =	vmul.f32 $5.000000000e-01, v2  }
0xbc: {  	v3 =	vsub.s32 $0x5F3759DF, v3  }
0xbd: {  	v4 =	vmul.f32 v3, v2;
	_ =	sdelay $0x1  }
0xbe: {  	v4 =	vmul.f32 v3, v4;
	_ =	sdelay $0x1  }
0xbf: {  	v4 =	vsub.f32 $1.500000000e+00, v4;
	_ =	sdelay $0x1  }
0xc0: {  	v3 =	vmul.f32 v3, v4;
	_ =	sdelay $0x1  }
0xc1: {  	v4 =	vmul.f32 v3, v2;
	_ =	sdelay $0x1  }
0xc2: {  	v4 =	vmul.f32 v4, v3;
	_ =	sdelay $0x1  }
0xc3: {  	v4 =	vsub.f32 $1.500000000e+00, v4;
	_ =	sdelay $0x1  }
0xc4: {  	v3 =	vmul.f32 v4, v3;
	_ =	sdelay $0x1  }
0xc5: {  	v2 =	vmul.f32 v3, v2;
	_ =	sdelay $0x1  }
0xc6: {  	v2 =	vmul.f32 v2, v3;
	_ =	sdelay $0x1  }
.Ltmp8:
0xc7: {  	v2 =	vsub.f32 $1.500000000e+00, v2;
	(pc) =	sbr.rel @p1 .LBB2_11-.Ltmp8, $3  }
0xc8: {  	_ = 	snop  }
0xc9: {  	v2 =	vmul.f32 v2, v3;
	_ =	sdelay $0x1  }
0xca: {  	[tilespmem:s26+$0x8200] =	vst v2;
	s26 =	sshra.s32 s28, $0x2;
	s28 =	sadd.s32 $0x40, s28  }
0xcb: {  	v2 =	vld [tilespmem:s26+$0x8200];
	_ =	sdelay $0x4  }
0xcc: {  	v2 =	vadd.f32 $1.000000000e+00, v2;
	_ =	sdelay $0x1  }
0xcd: {  	v3 =	vshra.s32 v2, $0x1;
	v2 =	vmul.f32 $5.000000000e-01, v2  }
0xce: {  	v3 =	vsub.s32 $0x5F3759DF, v3  }
0xcf: {  	v4 =	vmul.f32 v3, v2;
	_ =	sdelay $0x1  }
0xd0: {  	v4 =	vmul.f32 v3, v4;
	_ =	sdelay $0x1  }
0xd1: {  	v4 =	vsub.f32 $1.500000000e+00, v4;
	_ =	sdelay $0x1  }
0xd2: {  	v3 =	vmul.f32 v3, v4;
	_ =	sdelay $0x1  }
0xd3: {  	v4 =	vmul.f32 v3, v2;
	_ =	sdelay $0x1  }
0xd4: {  	v4 =	vmul.f32 v4, v3;
	_ =	sdelay $0x1  }
0xd5: {  	v4 =	vsub.f32 $1.500000000e+00, v4;
	_ =	sdelay $0x1  }
0xd6: {  	v3 =	vmul.f32 v4, v3;
	_ =	sdelay $0x1  }
0xd7: {  	v2 =	vmul.f32 v3, v2;
	_ =	sdelay $0x1  }
0xd8: {  	v2 =	vmul.f32 v2, v3;
	_ =	sdelay $0x1  }
0xd9: {  	v2 =	vsub.f32 $1.500000000e+00, v2;
	_ =	sdelay $0x1  }
0xda: {  	s24 =	sadd.s32 $0x1, s24;
	v2 =	vmul.f32 v2, v3  }
0xdb: {  	p1 =	sne.s32 s24, $0xA  }
.Ltmp9:
0xdc: {  	[tilespmem:s26+$0x8200] =	vst v2;
	(pc) =	sbr.rel @p1 .LBB2_10-.Ltmp9, $4  }
0xdd: {  	[spmem:s25] =	stream.linear.scatter [tilespmem:s30], [sflag:$0x5], $0x400, $0x38;
	[tilespmem:$0x1F600] =	vst v63  }
0xde: {  	_ =	swait.ge [sflag:s31], $0x400  }
0xdf: {  	[sflag:s31] =	ssyncset.done $0x0  }
0xe0: {  	s25 =	simm.s32 $0x0;
	[sflag:s31] =	ssyncadd.s32 $0xFFFFFC00  }
.LBB2_13:
0xe1: {  	s2 =	sshll.u32 s25, $0xC  }
0xe2: {  	s24 =	sadd.s32 s7, s2  }
0xe3: {  	s26 =	sadd.s32 s24, s4  }
0xe4: {  	[tilespmem:s16], [sflag:$0x5] =	stream.linear.gather [spmem:s26], $0x1000, $0x38;
	[tilespmem:$0x1F600] =	vst v63  }
0xe5: {  	_ =	swait.ge [sflag:s31], $0x1000  }
0xe6: {  	s2 =	sshrl.u32 s24, $0x2;
	[sflag:s31] =	ssyncset.done $0x0  }
0xe7: {  	s2 =	sadd.s32 s2, s3;
	[sflag:s31] =	ssyncadd.s32 $0xFFFFF000  }
0xe8: {  	[tilespmem:s30], [sflag:$0x5] =	stream.linear.gather [spmem:s2], $0x400, $0x38;
	[tilespmem:$0x1F600] =	vst v63  }
0xe9: {  	_ =	swait.ge [sflag:s31], $0x400  }
0xea: {  	[sflag:s31] =	ssyncset.done $0x0  }
0xeb: {  	s28 =	simm.s32 $0x7220;
	[sflag:s31] =	ssyncadd.s32 $0xFFFFFC00  }
0xec: {  	v2 =	vld [tilespmem:s28+$0xFFFFFFF0]  }
0xed: {  	v4 =	vld [tilespmem:s28+$0x10]  }
0xee: {  	s13 =	simm.s32 $0x0;
	v3 =	vld [tilespmem:s28+$0xFFFFFFE0]  }
0xef: {  	v6 =	vld [tilespmem:s13+$0x8200]  }
0xf0: {  	v7 =	vld [tilespmem:s28+$0x0];
	_ =	sdelay $0x3  }
0xf1: {  	v3 =	vmul.f32 v3, v6;
	v5 =	vmul.f32 v4, v6  }
0xf2: {  	s29 =	simm.s32 $0x40;
	s2 =	simm.s32 $0x7220;
	v4 =	vmul.f32 v2, v6;
	v2 =	vmul.f32 v7, v6  }
.LBB2_14:
0xf3: {  	p1 =	sne.s32 s29, $0xFC0  }
0xf4: {  	[tilespmem:s28+$0x10] =	vst v5;
	s2 =	sadd.s32 $0x40, s2;
	s13 =	smov.u32 s29;
	s29 =	sadd.s32 $0x40, s29  }
0xf5: {  	v6 =	vld [tilespmem:s2+$0xFFFFFFF0];
	[tilespmem:s28+$0xFFFFFFE0] =	vst v3  }
0xf6: {  	v5 =	vld [tilespmem:s2+$0x10];
	[tilespmem:s28+$0xFFFFFFF0] =	vst v4  }
0xf7: {  	s13 =	sshra.s32 s13, $0x2;
	v3 =	vld [tilespmem:s2+$0xFFFFFFE0];
	[tilespmem:s28+$0x0] =	vst v2;
	s28 =	smov.u32 s2  }
0xf8: {  	v2 =	vld [tilespmem:s13+$0x8200]  }
0xf9: {  	v7 =	vld [tilespmem:s2+$0x0]  }
.Ltmp10:
0xfa: {  	(pc) =	sbr.rel @p1 .LBB2_14-.Ltmp10, $3  }
0xfb: {  	_ =	sdelay $0x1  }
0xfc: {  	v3 =	vmul.f32 v3, v2;
	v5 =	vmul.f32 v5, v2  }
0xfd: {  	v4 =	vmul.f32 v6, v2;
	v2 =	vmul.f32 v7, v2  }
0xfe: {  	[tilespmem:s28+$0x10] =	vst v5  }
0xff: {  	[tilespmem:s28+$0xFFFFFFE0] =	vst v3  }
0x100: {  	[tilespmem:s28+$0xFFFFFFF0] =	vst v4  }
0x101: {  	[tilespmem:s28+$0x0] =	vst v2  }
0x102: {  	[spmem:s26] =	stream.linear.scatter [tilespmem:s16], [sflag:$0x5], $0x1000, $0x38;
	[tilespmem:$0x1F600] =	vst v63  }
0x103: {  	s25 =	sadd.s32 $0x1, s25;
	_ =	swait.ge [sflag:s31], $0x1000  }
0x104: {  	p1 =	sne.s32 s25, $0xA;
	[sflag:s31] =	ssyncset.done $0x0  }
.Ltmp11:
0x105: {  	s2 =	sadd.s32 s24, s5;
	[sflag:s31] =	ssyncadd.s32 $0xFFFFF000;
	(pc) =	sbr.rel @p1 .LBB2_13-.Ltmp11, $4  }
0x106: {  	[spmem:s2] =	stream.linear.scatter [tilespmem:s16], [sflag:$0x5], $0x1000, $0x38;
	[tilespmem:$0x1F600] =	vst v63  }
0x107: {  	_ =	swait.ge [sflag:s31], $0x1000  }
0x108: {  	[sflag:s31] =	ssyncset.done $0x0  }
0x109: {  	[sflag:s31] =	ssyncadd.s32 $0xFFFFF000  }
0x10a: {  	[bflag:$0x0] =	sbarrier.arrive $0xFFFF  }
0x10b: {  	s24 =	simm.s32 $0x0;
	s2 =	rddreg [dreg:$0x7]  }
0x10c: {  	[tilespmem:s24], [sflag:$0x5] =	stream.linear.gather [hbm4b:s2+s24], $0x480, $0x38;
	[tilespmem:$0x1F600] =	vst v63  }
0x10d: {  	_ =	swait.ge [sflag:s31], $0x480  }
0x10e: {  	[sflag:s31] =	ssyncset.done $0x0  }
0x10f: {  	s29 =	simm.s32 $0x900;
	[sflag:s31] =	ssyncadd.s32 $0xFFFFFB80  }
0x110: {  	[tilespmem:s29], [sflag:$0x5] =	stream.linear.gather [hbm4b:s12+s24], $0x480, $0x38;
	[tilespmem:$0x1F600] =	vst v63  }
0x111: {  	_ =	swait.ge [sflag:s31], $0x480  }
.Ltmp12:
0x112: {  	[sflag:s31] =	ssyncset.done $0x0;
	(pc) =	sbr.rel .LBB2_17-.Ltmp12, $4  }
0x113: {  	[sflag:s31] =	ssyncadd.s32 $0xFFFFFB80  }
0x114: {  	[tilespmem:s17], [sflag:$0x1] =	stream.indirect.gather [spmem:s4], $0x40, s24, s11, $0xb8;
	[tilespmem:$0x1F600] =	vst v63  }
0x115: {  	_ = 	snop  }
0x116: {  	[tilespmem:s18], [sflag:$0x1] =	stream.indirect.gather [spmem:s4], $0x40, s11, s11, $0xb8;
	[tilespmem:$0x1F600] =	vst v63  }
.LBB2_22:
0x117: {  	_ =	swait.ge [sflag:s21], $0x480  }
0x118: {  	[sflag:s21] =	ssyncset.done $0x0  }
0x119: {  	[sflag:s21] =	ssyncadd.s32 $0xFFFFFB80  }
0x11a: {  	_ =	swait.ge [sflag:s21], $0x480  }
0x11b: {  	[sflag:s21] =	ssyncset.done $0x0  }
0x11c: {  	[sflag:s21] =	ssyncadd.s32 $0xFFFFFB80  }
.LBB2_24:
0x11d: {  	s2 =	sand.u32 $0x1, s2  }
0x11e: {  	s13 =	sand.u32 $0xFF, s25;
	p1 =	seq.s32 s2, $0x1;
	s2 =	simm.s32 $0x480  }
0x11f: {  	s13 =	sshll.u32 s13, $0x7;
	s2 =	simm.s32 @!p1 $0x0  }
0x120: {  	s24 =	sadd.s32 $0x1, s24;
	s2 =	sadd.s32 s13, s2  }
0x121: {  	[tilespmem:s18], [sflag:$0x1] =	stream.indirect.gather [spmem:s4], $0x40, s2, s11, $0xb8;
	[tilespmem:$0x1F600] =	vst v63  }
.LBB2_17:
0x122: {  	s25 =	smul.u32 $0x3, s24;
	_ =	sdelay $0x1  }
0x123: {  	s2 =	sand.u32 $0xFF, s25  }
0x124: {  	s13 =	sand.u32 $0xFF, s24;
	s2 =	smul.u32 $0x39, s2  }
0x125: {  	s13 =	smul.u32 $0xAB, s13  }
0x126: {  	s2 =	sshrl.u32 s2, $0x9  }
0x127: {  	_ =	swait.ge [sflag:s0], $0x2000;
	s13 =	sshrl.u32 s13, $0x9;
	s2 =	smul.u32 $0x9, s2  }
0x128: {  	p2 =	sgt.u32 s24, $0x32;
	p4 =	seq.s32 s24, $0x0;
	s26 =	sand.u32 $0x1, s13  }
0x129: {  	[sflag:s0] =	ssyncset.done $0x0;
	p1 =	seq.s32 s26, $0x1;
	s2 =	ssub.s32 s25, s2  }
0x12a: {  	s26 =	simm.s32 $0x480;
	s28 =	sand.u32 $0xFF, s2;
	s2 =	sand.u32 @!p2 $0xFF, s2  }
0x12b: {  	s26 =	simm.s32 @!p1 $0x0;
	s28 =	sshll.u32 s28, $0x7;
	p3 =	sne.s32 @!p2 s2, $0x0  }
0x12c: {  	[sflag:s0] =	ssyncadd.s32 $0xFFFFE000;
	s26 =	sadd.s32 s28, s26;
	p1 =	por p3, p2  }
0x12d: {  	s2 =	simm.s32 @!p4 $0x2;
	s26 =	sadd.s32 $0x900, s26;
	s13 =	sadd.s32 @!p1 $0x1, s13  }
0x12e: {  	[spmem:s5] =	stream.indirect.scatter.add.f32 [tilespmem:s17], [sflag:$0x2], $0x40, s26, s11, $0xb8;
	[tilespmem:$0x1F600] =	vst v63  }
0x12f: {  	s26 =	smul.u32 @!p1 $0x480, s13;
	s13 =	sand.u32 @!p1 $0x1, s13;
	_ =	swait.ge @!p4 [sflag:s2], $0x2000  }
0x130: {  	p5 =	seq.s32 @!p1 s13, $0x1;
	[sflag:s2] =	ssyncset.done @!p4 $0x0  }
0x131: {  	p3 =	por @!p2 !p5, p3;
	[sflag:s2] =	ssyncadd.s32 @!p4 $0xFFFFE000;
	s2 =	sadd.s32 @!p1 s9, s26  }
0x132: {  	s13 =	simm.s32 @!p1 $0x480;
	p2 =	por !p3, p2;
	s2 =	sshrl.u32 @!p1 s2, $0x3  }
0x133: {  	s28 =	simm.s32 @!p1 $0x0;
	s13 =	simm.s32 @!p2 $0x0;
	s26 =	sadd.s32 @!p1 s1, s2  }
0x134: {  	[tilespmem:s13], [sflag:$0x4] =	stream.linear.gather @!p1 [hbm4b:s26+s28], $0x480, $0x38;
	[tilespmem:$0x1F600] =	vst v63  }
0x135: {  	s26 =	sadd.s32 $0x2, s25  }
0x136: {  	s29 =	sand.u32 $0xFF, s26  }
0x137: {  	s2 =	sadd.s32 @!p1 s8, s2;
	s13 =	sor.u32 @!p1 $0x900, s13;
	s29 =	smul.u32 $0x39, s29  }
0x138: {  	[tilespmem:s13], [sflag:$0x4] =	stream.linear.gather @!p1 [hbm4b:s2+s28], $0x480, $0x38;
	[tilespmem:$0x1F600] =	vst v63  }
0x139: {  	s2 =	sshrl.u32 s29, $0x9  }
0x13a: {  	s28 =	sadd.s32 $0x1, s25;
	s13 =	smul.u32 $0x9, s2  }
0x13b: {  	s29 =	sand.u32 $0xFF, s28  }
0x13c: {  	s2 =	sand.u32 $0x1, s2;
	s29 =	smul.u32 $0x39, s29;
	s13 =	ssub.s32 s26, s13  }
0x13d: {  	p1 =	seq.s32 s2, $0x1;
	s2 =	simm.s32 $0x480;
	s13 =	sand.u32 $0xFF, s13  }
0x13e: {  	s2 =	simm.s32 @!p1 $0x0;
	s29 =	sshrl.u32 s29, $0x9;
	s13 =	sshll.u32 s13, $0x7  }
0x13f: {  	s26 =	sadd.s32 s13, s2;
	s13 =	smul.u32 $0x9, s29  }
0x140: {  	[tilespmem:s19], [sflag:$0x1] =	stream.indirect.gather [spmem:s4], $0x40, s26, s11, $0xb8;
	[tilespmem:$0x1F600] =	vst v63  }
0x141: {  	s2 =	ssub.s32 s28, s13;
	s13 =	sadd.s32 $0x3, s25  }
0x142: {  	s28 =	sand.u32 $0x1, s29;
	s2 =	sand.u32 $0xFF, s2;
	s29 =	sand.u32 $0xFF, s13  }
0x143: {  	p1 =	seq.s32 s28, $0x1;
	s28 =	simm.s32 $0x480;
	s29 =	smul.u32 $0x39, s29  }
0x144: {  	_ =	swait.ge [sflag:s0], $0x2000;
	s28 =	simm.s32 @!p1 $0x0;
	s2 =	sshll.u32 s2, $0x7  }
0x145: {  	[sflag:s0] =	ssyncset.done $0x0;
	s28 =	sadd.s32 s2, s28;
	s2 =	sshrl.u32 s29, $0x9  }
0x146: {  	[sflag:s0] =	ssyncadd.s32 $0xFFFFE000;
	s28 =	sadd.s32 $0x900, s28;
	s29 =	smul.u32 $0x9, s2  }
0x147: {  	[spmem:s5] =	stream.indirect.scatter.add.f32 [tilespmem:s18], [sflag:$0x2], $0x40, s28, s11, $0xb8;
	[tilespmem:$0x1F600] =	vst v63  }
0x148: {  	p1 =	seq.s32 s24, $0x35;
	s28 =	ssub.s32 s13, s29  }
0x149: {  	s13 =	sand.u32 @!p1 $0xFF, s28  }
0x14a: {  	p2 =	sne.s32 @!p1 s13, $0x0  }
0x14b: {  	p2 =	por p1, p2  }
.Ltmp13:
0x14c: {  	_ = 	snop;
	(pc) =	sbr.rel @p2 .LBB2_19-.Ltmp13, $4  }
0x14d: {  	_ = 	snop  }
0x14e: {  	_ =	swait.ge [sflag:s20], $0x2000  }
0x14f: {  	[sflag:s20] =	ssyncset.done $0x0  }
0x150: {  	[sflag:s20] =	ssyncadd.s32 $0xFFFFE000  }
0x151: {  	_ =	swait.ge [sflag:s21], $0x480  }
0x152: {  	[sflag:s21] =	ssyncset.done $0x0  }
0x153: {  	[sflag:s21] =	ssyncadd.s32 $0xFFFFFB80  }
0x154: {  	_ =	swait.ge [sflag:s21], $0x480  }
0x155: {  	[sflag:s21] =	ssyncset.done $0x0  }
0x156: {  	[sflag:s21] =	ssyncadd.s32 $0xFFFFFB80  }
.LBB2_20:
0x157: {  	s2 =	sand.u32 $0x1, s2  }
0x158: {  	s13 =	sand.u32 $0xFF, s28;
	p2 =	seq.s32 s2, $0x1;
	s2 =	simm.s32 $0x480  }
0x159: {  	s13 =	sshll.u32 s13, $0x7;
	s2 =	simm.s32 @!p2 $0x0  }
0x15a: {  	s2 =	sadd.s32 s13, s2  }
0x15b: {  	[tilespmem:s17], [sflag:$0x1] =	stream.indirect.gather [spmem:s4], $0x40, s2, s11, $0xb8;
	[tilespmem:$0x1F600] =	vst v63  }
.LBB2_21:
0x15c: {  	s13 =	sadd.s32 $0x4, s25  }
0x15d: {  	s2 =	sand.u32 $0xFF, s13  }
0x15e: {  	s2 =	smul.u32 $0x39, s2;
	_ =	sdelay $0x1  }
0x15f: {  	s2 =	sshrl.u32 s2, $0x9  }
0x160: {  	s29 =	smul.u32 $0x9, s2;
	_ =	sdelay $0x1  }
0x161: {  	s25 =	ssub.s32 s13, s29  }
0x162: {  	s13 =	sand.u32 @!p1 $0xFF, s25  }
0x163: {  	_ =	swait.ge [sflag:s0], $0x2000;
	p2 =	sne.s32 @!p1 s13, $0x0  }
0x164: {  	[sflag:s0] =	ssyncset.done $0x0;
	p2 =	por p1, p2  }
.Ltmp14:
0x165: {  	s28 =	sadd.s32 $0x900, s26;
	[sflag:s0] =	ssyncadd.s32 $0xFFFFE000;
	(pc) =	sbr.rel @!p2 .LBB2_22-.Ltmp14, $4  }
0x166: {  	[spmem:s5] =	stream.indirect.scatter.add.f32 [tilespmem:s19], [sflag:$0x2], $0x40, s28, s11, $0xb8;
	[tilespmem:$0x1F600] =	vst v63  }
0x167: {  	_ =	swait.ge [sflag:s20], $0x2000  }
0x168: {  	[sflag:s20] =	ssyncset.done $0x0  }
0x169: {  	[sflag:s20] =	ssyncadd.s32 $0xFFFFE000  }
.Ltmp15:
0x16a: {  	(pc) =	sbr.rel @!p1 .LBB2_24-.Ltmp15, $4  }
.Ltmp16:
0x16b: {  	(pc) =	sbr.rel @p1 .LBB2_25-.Ltmp16, $4  }
0x16c: {  	_ = 	snop  }
0x16d: {  	_ = 	snop  }
0x16e: {  	_ = 	snop  }
0x16f: {  	_ = 	snop  }
.LBB2_19:
.Ltmp17:
0x170: {  	(pc) =	sbr.rel @p1 .LBB2_21-.Ltmp17, $4  }
.Ltmp18:
0x171: {  	(pc) =	sbr.rel @!p1 .LBB2_20-.Ltmp18, $4  }
0x172: {  	_ = 	snop  }
0x173: {  	_ = 	snop  }
0x174: {  	_ = 	snop  }
0x175: {  	_ = 	snop  }
.LBB2_25:
0x176: {  	_ =	swait.ge [sflag:s20], $0x2000  }
0x177: {  	[sflag:s20] =	ssyncset.done $0x0  }
0x178: {  	[sflag:s20] =	ssyncadd.s32 $0xFFFFE000  }
0x179: {  	s24 =	simm.s32 $0x0;
	[bflag:$0x0] =	sbarrier.arrive $0xFFFF  }
.LBB2_26:
0x17a: {  	s2 =	sshll.u32 s24, $0xC  }
0x17b: {  	s26 =	sadd.s32 s7, s2  }
0x17c: {  	s25 =	sadd.s32 s26, s5  }
0x17d: {  	[tilespmem:s16], [sflag:$0x5] =	stream.linear.gather [spmem:s25], $0x1000, $0x38;
	[tilespmem:$0x1F600] =	vst v63  }
0x17e: {  	_ =	swait.ge [sflag:s31], $0x1000  }
0x17f: {  	s2 =	sshrl.u32 s26, $0x2;
	[sflag:s31] =	ssyncset.done $0x0  }
0x180: {  	s2 =	sadd.s32 s2, s3;
	[sflag:s31] =	ssyncadd.s32 $0xFFFFF000  }
0x181: {  	[tilespmem:s30], [sflag:$0x5] =	stream.linear.gather [spmem:s2], $0x400, $0x38;
	[tilespmem:$0x1F600] =	vst v63  }
0x182: {  	_ =	swait.ge [sflag:s31], $0x400  }
0x183: {  	[sflag:s31] =	ssyncset.done $0x0  }
0x184: {  	s28 =	simm.s32 $0x7220;
	[sflag:s31] =	ssyncadd.s32 $0xFFFFFC00  }
0x185: {  	s13 =	simm.s32 $0x0;
	s29 =	simm.s32 $0x7220;
	s2 =	simm.s32 $0x40;
	v2 =	vld [tilespmem:s28+$0xFFFFFFF0]  }
.LBB2_27:
0x186: {  	p1 =	sne.s32 s2, $0xFC0;
	v3 =	vld [tilespmem:s13+$0x8200]  }
0x187: {  	v4 =	vld [tilespmem:s28+$0x10]  }
0x188: {  	v5 =	vld [tilespmem:s28+$0xFFFFFFE0]  }
0x189: {  	v6 =	vld [tilespmem:s28+$0x0];
	_ =	sdelay $0x1  }
0x18a: {  	v3 =	vmul.f32 v3, v3;
	_ =	sdelay $0x1  }
0x18b: {  	v5 =	vmul.f32 v3, v5;
	v2 =	vmul.f32 v2, v3  }
.Ltmp19:
0x18c: {  	v6 =	vmul.f32 v6, v3;
	v3 =	vmul.f32 v4, v3;
	(pc) =	sbr.rel @p1 .LBB2_27-.Ltmp19, $4  }
0x18d: {  	[tilespmem:s28+$0xFFFFFFE0] =	vst v5  }
0x18e: {  	[tilespmem:s28+$0xFFFFFFF0] =	vst v2  }
0x18f: {  	s28 =	sadd.s32 $0x40, s28;
	[tilespmem:s29+$0x0] =	vst v6  }
0x190: {  	s13 =	sshra.s32 s2, $0x2;
	s2 =	sadd.s32 $0x40, s2;
	v2 =	vld [tilespmem:s28+$0xFFFFFFF0];
	[tilespmem:s29+$0x10] =	vst v3;
	s29 =	smov.u32 s28  }
0x191: {  	v3 =	vld [tilespmem:s13+$0x8200];
	_ =	sdelay $0x1  }
0x192: {  	v4 =	vld [tilespmem:s28+$0xFFFFFFE0];
	_ =	sdelay $0x1  }
0x193: {  	v5 =	vld [tilespmem:s28+$0x0]  }
0x194: {  	v6 =	vld [tilespmem:s28+$0x10];
	v3 =	vmul.f32 v3, v3;
	_ =	sdelay $0x1  }
0x195: {  	v4 =	vmul.f32 v3, v4  }
0x196: {  	v2 =	vmul.f32 v2, v3  }
0x197: {  	v5 =	vmul.f32 v5, v3;
	[tilespmem:s28+$0xFFFFFFE0] =	vst v4  }
0x198: {  	v3 =	vmul.f32 v6, v3;
	[tilespmem:s28+$0xFFFFFFF0] =	vst v2  }
0x199: {  	[tilespmem:s29+$0x0] =	vst v5  }
0x19a: {  	s2 =	sadd.s32 s26, s4;
	[tilespmem:s29+$0x10] =	vst v3  }
0x19b: {  	[spmem:s2] =	stream.linear.scatter [tilespmem:s16], [sflag:$0x5], $0x1000, $0x38;
	[tilespmem:$0x1F600] =	vst v63  }
0x19c: {  	s24 =	sadd.s32 $0x1, s24;
	_ =	swait.ge [sflag:s31], $0x1000  }
0x19d: {  	p1 =	sne.s32 s24, $0xA;
	[sflag:s31] =	ssyncset.done $0x0  }
.Ltmp20:
0x19e: {  	[sflag:s31] =	ssyncadd.s32 $0xFFFFF000;
	(pc) =	sbr.rel @p1 .LBB2_26-.Ltmp20, $4  }
0x19f: {  	[spmem:s25] =	stream.linear.scatter [tilespmem:s16], [sflag:$0x5], $0x1000, $0x38;
	[tilespmem:$0x1F600] =	vst v63  }
0x1a0: {  	_ =	swait.ge [sflag:s31], $0x1000  }
0x1a1: {  	[sflag:s31] =	ssyncset.done $0x0  }
0x1a2: {  	[sflag:s31] =	ssyncadd.s32 $0xFFFFF000  }
0x1a3: {  	[bflag:$0x0] =	sbarrier.arrive $0xFFFF  }
0x1a4: {  	s24 =	simm.s32 $0x0;
	s2 =	rddreg [dreg:$0x7]  }
0x1a5: {  	[tilespmem:s24], [sflag:$0x5] =	stream.linear.gather [hbm4b:s2+s24], $0x480, $0x38;
	[tilespmem:$0x1F600] =	vst v63  }
0x1a6: {  	_ =	swait.ge [sflag:s31], $0x480  }
0x1a7: {  	[sflag:s31] =	ssyncset.done $0x0  }
0x1a8: {  	s29 =	simm.s32 $0x900;
	[sflag:s31] =	ssyncadd.s32 $0xFFFFFB80  }
0x1a9: {  	[tilespmem:s29], [sflag:$0x5] =	stream.linear.gather [hbm4b:s12+s24], $0x480, $0x38;
	[tilespmem:$0x1F600] =	vst v63  }
0x1aa: {  	_ =	swait.ge [sflag:s31], $0x480  }
.Ltmp21:
0x1ab: {  	[sflag:s31] =	ssyncset.done $0x0;
	(pc) =	sbr.rel .LBB2_30-.Ltmp21, $4  }
0x1ac: {  	[sflag:s31] =	ssyncadd.s32 $0xFFFFFB80  }
0x1ad: {  	[tilespmem:s17], [sflag:$0x1] =	stream.indirect.gather [spmem:s4], $0x40, s24, s11, $0xb8;
	[tilespmem:$0x1F600] =	vst v63  }
0x1ae: {  	_ = 	snop  }
0x1af: {  	[tilespmem:s18], [sflag:$0x1] =	stream.indirect.gather [spmem:s4], $0x40, s11, s11, $0xb8;
	[tilespmem:$0x1F600] =	vst v63  }
.LBB2_35:
0x1b0: {  	_ =	swait.ge [sflag:s21], $0x480  }
0x1b1: {  	[sflag:s21] =	ssyncset.done $0x0  }
0x1b2: {  	[sflag:s21] =	ssyncadd.s32 $0xFFFFFB80  }
0x1b3: {  	_ =	swait.ge [sflag:s21], $0x480  }
0x1b4: {  	[sflag:s21] =	ssyncset.done $0x0  }
0x1b5: {  	[sflag:s21] =	ssyncadd.s32 $0xFFFFFB80  }
.LBB2_37:
0x1b6: {  	s2 =	sand.u32 $0x1, s2  }
0x1b7: {  	s13 =	sand.u32 $0xFF, s25;
	p1 =	seq.s32 s2, $0x1;
	s2 =	simm.s32 $0x480  }
0x1b8: {  	s13 =	sshll.u32 s13, $0x7;
	s2 =	simm.s32 @!p1 $0x0  }
0x1b9: {  	s24 =	sadd.s32 $0x1, s24;
	s2 =	sadd.s32 s13, s2  }
0x1ba: {  	[tilespmem:s18], [sflag:$0x1] =	stream.indirect.gather [spmem:s4], $0x40, s2, s11, $0xb8;
	[tilespmem:$0x1F600] =	vst v63  }
.LBB2_30:
0x1bb: {  	s25 =	smul.u32 $0x3, s24;
	_ =	sdelay $0x1  }
0x1bc: {  	s2 =	sand.u32 $0xFF, s25  }
0x1bd: {  	s13 =	sand.u32 $0xFF, s24;
	s2 =	smul.u32 $0x39, s2  }
0x1be: {  	s13 =	smul.u32 $0xAB, s13  }
0x1bf: {  	s2 =	sshrl.u32 s2, $0x9  }
0x1c0: {  	_ =	swait.ge [sflag:s0], $0x2000;
	s13 =	sshrl.u32 s13, $0x9;
	s2 =	smul.u32 $0x9, s2  }
0x1c1: {  	p2 =	sgt.u32 s24, $0x32;
	p4 =	seq.s32 s24, $0x0;
	s26 =	sand.u32 $0x1, s13  }
0x1c2: {  	[sflag:s0] =	ssyncset.done $0x0;
	p1 =	seq.s32 s26, $0x1;
	s2 =	ssub.s32 s25, s2  }
0x1c3: {  	s26 =	simm.s32 $0x480;
	s28 =	sand.u32 $0xFF, s2;
	s2 =	sand.u32 @!p2 $0xFF, s2  }
0x1c4: {  	s26 =	simm.s32 @!p1 $0x0;
	s28 =	sshll.u32 s28, $0x7;
	p3 =	sne.s32 @!p2 s2, $0x0  }
0x1c5: {  	[sflag:s0] =	ssyncadd.s32 $0xFFFFE000;
	s26 =	sadd.s32 s28, s26;
	p1 =	por p3, p2  }
0x1c6: {  	s2 =	simm.s32 @!p4 $0x2;
	s26 =	sadd.s32 $0x900, s26;
	s13 =	sadd.s32 @!p1 $0x1, s13  }
0x1c7: {  	[spmem:s5] =	stream.indirect.scatter.add.f32 [tilespmem:s17], [sflag:$0x2], $0x40, s26, s11, $0xb8;
	[tilespmem:$0x1F600] =	vst v63  }
0x1c8: {  	s26 =	smul.u32 @!p1 $0x480, s13;
	s13 =	sand.u32 @!p1 $0x1, s13;
	_ =	swait.ge @!p4 [sflag:s2], $0x2000  }
0x1c9: {  	p5 =	seq.s32 @!p1 s13, $0x1;
	[sflag:s2] =	ssyncset.done @!p4 $0x0  }
0x1ca: {  	p3 =	por @!p2 !p5, p3;
	[sflag:s2] =	ssyncadd.s32 @!p4 $0xFFFFE000;
	s2 =	sadd.s32 @!p1 s9, s26  }
0x1cb: {  	s13 =	simm.s32 @!p1 $0x480;
	p2 =	por !p3, p2;
	s2 =	sshrl.u32 @!p1 s2, $0x3  }
0x1cc: {  	s28 =	simm.s32 @!p1 $0x0;
	s13 =	simm.s32 @!p2 $0x0;
	s26 =	sadd.s32 @!p1 s1, s2  }
0x1cd: {  	[tilespmem:s13], [sflag:$0x4] =	stream.linear.gather @!p1 [hbm4b:s26+s28], $0x480, $0x38;
	[tilespmem:$0x1F600] =	vst v63  }
0x1ce: {  	s26 =	sadd.s32 $0x2, s25  }
0x1cf: {  	s29 =	sand.u32 $0xFF, s26  }
0x1d0: {  	s2 =	sadd.s32 @!p1 s8, s2;
	s13 =	sor.u32 @!p1 $0x900, s13;
	s29 =	smul.u32 $0x39, s29  }
0x1d1: {  	[tilespmem:s13], [sflag:$0x4] =	stream.linear.gather @!p1 [hbm4b:s2+s28], $0x480, $0x38;
	[tilespmem:$0x1F600] =	vst v63  }
0x1d2: {  	s2 =	sshrl.u32 s29, $0x9  }
0x1d3: {  	s28 =	sadd.s32 $0x1, s25;
	s13 =	smul.u32 $0x9, s2  }
0x1d4: {  	s29 =	sand.u32 $0xFF, s28  }
0x1d5: {  	s2 =	sand.u32 $0x1, s2;
	s29 =	smul.u32 $0x39, s29;
	s13 =	ssub.s32 s26, s13  }
0x1d6: {  	p1 =	seq.s32 s2, $0x1;
	s2 =	simm.s32 $0x480;
	s13 =	sand.u32 $0xFF, s13  }
0x1d7: {  	s2 =	simm.s32 @!p1 $0x0;
	s29 =	sshrl.u32 s29, $0x9;
	s13 =	sshll.u32 s13, $0x7  }
0x1d8: {  	s26 =	sadd.s32 s13, s2;
	s13 =	smul.u32 $0x9, s29  }
0x1d9: {  	[tilespmem:s19], [sflag:$0x1] =	stream.indirect.gather [spmem:s4], $0x40, s26, s11, $0xb8;
	[tilespmem:$0x1F600] =	vst v63  }
0x1da: {  	s2 =	ssub.s32 s28, s13;
	s13 =	sadd.s32 $0x3, s25  }
0x1db: {  	s28 =	sand.u32 $0x1, s29;
	s2 =	sand.u32 $0xFF, s2;
	s29 =	sand.u32 $0xFF, s13  }
0x1dc: {  	p1 =	seq.s32 s28, $0x1;
	s28 =	simm.s32 $0x480;
	s29 =	smul.u32 $0x39, s29  }
0x1dd: {  	_ =	swait.ge [sflag:s0], $0x2000;
	s28 =	simm.s32 @!p1 $0x0;
	s2 =	sshll.u32 s2, $0x7  }
0x1de: {  	[sflag:s0] =	ssyncset.done $0x0;
	s28 =	sadd.s32 s2, s28;
	s2 =	sshrl.u32 s29, $0x9  }
0x1df: {  	[sflag:s0] =	ssyncadd.s32 $0xFFFFE000;
	s28 =	sadd.s32 $0x900, s28;
	s29 =	smul.u32 $0x9, s2  }
0x1e0: {  	[spmem:s5] =	stream.indirect.scatter.add.f32 [tilespmem:s18], [sflag:$0x2], $0x40, s28, s11, $0xb8;
	[tilespmem:$0x1F600] =	vst v63  }
0x1e1: {  	p1 =	seq.s32 s24, $0x35;
	s28 =	ssub.s32 s13, s29  }
0x1e2: {  	s13 =	sand.u32 @!p1 $0xFF, s28  }
0x1e3: {  	p2 =	sne.s32 @!p1 s13, $0x0  }
0x1e4: {  	p2 =	por p1, p2  }
.Ltmp22:
0x1e5: {  	_ = 	snop;
	(pc) =	sbr.rel @p2 .LBB2_32-.Ltmp22, $4  }
0x1e6: {  	_ = 	snop  }
0x1e7: {  	_ =	swait.ge [sflag:s20], $0x2000  }
0x1e8: {  	[sflag:s20] =	ssyncset.done $0x0  }
0x1e9: {  	[sflag:s20] =	ssyncadd.s32 $0xFFFFE000  }
0x1ea: {  	_ =	swait.ge [sflag:s21], $0x480  }
0x1eb: {  	[sflag:s21] =	ssyncset.done $0x0  }
0x1ec: {  	[sflag:s21] =	ssyncadd.s32 $0xFFFFFB80  }
0x1ed: {  	_ =	swait.ge [sflag:s21], $0x480  }
0x1ee: {  	[sflag:s21] =	ssyncset.done $0x0  }
0x1ef: {  	[sflag:s21] =	ssyncadd.s32 $0xFFFFFB80  }
.LBB2_33:
0x1f0: {  	s2 =	sand.u32 $0x1, s2  }
0x1f1: {  	s13 =	sand.u32 $0xFF, s28;
	p2 =	seq.s32 s2, $0x1;
	s2 =	simm.s32 $0x480  }
0x1f2: {  	s13 =	sshll.u32 s13, $0x7;
	s2 =	simm.s32 @!p2 $0x0  }
0x1f3: {  	s2 =	sadd.s32 s13, s2  }
0x1f4: {  	[tilespmem:s17], [sflag:$0x1] =	stream.indirect.gather [spmem:s4], $0x40, s2, s11, $0xb8;
	[tilespmem:$0x1F600] =	vst v63  }
.LBB2_34:
0x1f5: {  	s13 =	sadd.s32 $0x4, s25  }
0x1f6: {  	s2 =	sand.u32 $0xFF, s13  }
0x1f7: {  	s2 =	smul.u32 $0x39, s2;
	_ =	sdelay $0x1  }
0x1f8: {  	s2 =	sshrl.u32 s2, $0x9  }
0x1f9: {  	s29 =	smul.u32 $0x9, s2;
	_ =	sdelay $0x1  }
0x1fa: {  	s25 =	ssub.s32 s13, s29  }
0x1fb: {  	s13 =	sand.u32 @!p1 $0xFF, s25  }
0x1fc: {  	_ =	swait.ge [sflag:s0], $0x2000;
	p2 =	sne.s32 @!p1 s13, $0x0  }
0x1fd: {  	[sflag:s0] =	ssyncset.done $0x0;
	p2 =	por p1, p2  }
.Ltmp23:
0x1fe: {  	s28 =	sadd.s32 $0x900, s26;
	[sflag:s0] =	ssyncadd.s32 $0xFFFFE000;
	(pc) =	sbr.rel @!p2 .LBB2_35-.Ltmp23, $4  }
0x1ff: {  	[spmem:s5] =	stream.indirect.scatter.add.f32 [tilespmem:s19], [sflag:$0x2], $0x40, s28, s11, $0xb8;
	[tilespmem:$0x1F600] =	vst v63  }
0x200: {  	_ =	swait.ge [sflag:s20], $0x2000  }
0x201: {  	[sflag:s20] =	ssyncset.done $0x0  }
0x202: {  	[sflag:s20] =	ssyncadd.s32 $0xFFFFE000  }
.Ltmp24:
0x203: {  	(pc) =	sbr.rel @!p1 .LBB2_37-.Ltmp24, $4  }
.Ltmp25:
0x204: {  	(pc) =	sbr.rel @p1 .LBB2_38-.Ltmp25, $4  }
0x205: {  	_ = 	snop  }
0x206: {  	_ = 	snop  }
0x207: {  	_ = 	snop  }
0x208: {  	_ = 	snop  }
.LBB2_32:
.Ltmp26:
0x209: {  	(pc) =	sbr.rel @p1 .LBB2_34-.Ltmp26, $4  }
.Ltmp27:
0x20a: {  	(pc) =	sbr.rel @!p1 .LBB2_33-.Ltmp27, $4  }
0x20b: {  	_ = 	snop  }
0x20c: {  	_ = 	snop  }
0x20d: {  	_ = 	snop  }
0x20e: {  	_ = 	snop  }
.LBB2_39:
0x20f: {  	_ =	sfence.sel $0x180000  }
0x210: {  	[bflag:$0x0] =	sbarrier.arrive $0xFFFF  }
0x211: {  	_ =	strace $0x90000047  }
0x212: {  	s0 =	stileid.u32;
	[bflag:$0x2] =	sbarrier.arrive $0xFFFF  }
0x213: {  	p0 =	sne.s32 s0, $0x0;
	s0 =	rddreg [dreg:$0x5]  }
0x214: {  	s0 =	sadd.s32 @!p0 $0x100000, s0  }
0x215: {  	[sflag:s0] =	ssyncadd.tile.s32 @!p0 $0x1;
	_ =	shalt  }
.Lfunc_end2:
_tile_overlayer_lowered:
.L_overlay_start_2:
0x216: {  	(tag) =	ssettag $0x2  }
0x217: {  	s0 =	rddreg [dreg:$0x0];
	s2 =	stileid.u32  }
0x218: {  	s1 =	rddreg [dreg:$0x1];
	p0 =	sne.s32 s2, $0x0  }
0x219: {  	s3 =	rddreg [dreg:$0x2];
	[bflag:$0x3] =	sbarrier.arrive $0xFFFF;
	s2 =	simm.s32 @!p0 $0x1C05  }
0x21a: {  	[timem:s3], [sflag:s2] =	dma.local @!p0 [hbm:s0], s1  }
0x21b: {  	s0 =	simm.s32 @!p0 $0x5  }
0x21c: {  	_ =	swait.ge @!p0 [sflag:s0], s1  }
0x21d: {  	s1 =	ssub.s32 @!p0 $0x0, s1;
	[sflag:s0] =	ssyncset.done @!p0 $0x0  }
0x21e: {  	[sflag:s0] =	ssyncadd.s32 @!p0 s1  }
0x21f: {  	[bflag:$0x3] =	sbarrier.arrive $0xFFFF  }
0x220: {  	_ =	shalt  }

</sc_bundles>
